<compile_context>
chip_gen: v7x
topology: tpu7x:2x2x1
jax: 0.10.2.dev20260603
libtpu: 0.0.44.dev20260713+nightly
codegen_flags: <defaults>
</compile_context>

<pallas_src>
import functools

import jax
import jax.numpy as jnp
from jax.experimental import pallas as pl
from jax.experimental.pallas import tpu as pltpu
from jax.experimental.pallas import tpu_sc as plsc

_N = 10000
_E = 320000
_NFEAT = 128
_NCLASS = 40
_H1, _C1 = 8, 8

_NC, _NS = 2, 16
_NW = _NC * _NS
_CHUNK = 80
_ROWS_PER_TILE = 640
_NP = _NW * _ROWS_PER_TILE // 2
_ETOT = _E + _N
_CHUNKS_PER_TILE = 2 * (-(-_ETOT // (2 * _NW * _CHUNK)))
_NCHUNK = _NW * _CHUNKS_PER_TILE
_EP = _NCHUNK * _CHUNK


def _tc_tables1(x_ref, w1_ref, ms_ref, md_ref, a_ref, b_ref):
    h = jnp.dot(x_ref[...], w1_ref[...], preferred_element_type=jnp.float32)
    asb = jnp.dot(h, ms_ref[...], preferred_element_type=jnp.float32)
    adb = jnp.dot(h, md_ref[...], preferred_element_type=jnp.float32)
    a_ref[...] = jnp.concatenate([h, asb], axis=1)
    b_ref[...] = jnp.concatenate(
        [adb, jnp.zeros((adb.shape[0], 64), jnp.float32)], axis=1)


def _tc_combine1(acc_ref, b1_ref, w2_ref, s2_ref, d2_ref, a_ref, b_ref):
    a = acc_ref[0] + acc_ref[1]
    num = a[:, :64]
    den = a[:, 64:]
    x1 = num / (den + 1e-16) + b1_ref[...]
    x1 = jnp.where(x1 > 0, x1, jnp.exp(jnp.minimum(x1, 0.0)) - 1.0)
    h2 = jnp.dot(x1, w2_ref[...], preferred_element_type=jnp.float32)
    as2 = jnp.dot(h2, s2_ref[...], preferred_element_type=jnp.float32)
    ad2 = jnp.dot(h2, d2_ref[...], preferred_element_type=jnp.float32)
    zeros8 = jnp.zeros((h2.shape[0], 8), jnp.float32)
    zeros64 = jnp.zeros((h2.shape[0], 64), jnp.float32)
    a_ref[...] = jnp.concatenate([h2, zeros8, as2, zeros64], axis=1)
    b_ref[...] = jnp.concatenate(
        [ad2, jnp.zeros((ad2.shape[0], 112), jnp.float32)], axis=1)


def _tc_combine2(acc_ref, b2_ref, o_ref):
    a = acc_ref[0] + acc_ref[1]
    num = a[:, :_NCLASS]
    den = a[:, 48:49]
    o_ref[...] = num / (den + 1e-16) + b2_ref[...]


def _edge_body1(ga, gb, e):
    for p in range(4):
        va = ga[e, pl.ds(64 + 16 * p, 16)]
        vd = gb[e, pl.ds(16 * p, 16)]
        s = va + vd
        w = jnp.exp(jnp.maximum(s, 0.2 * s))
        ga[e, pl.ds(16 * p, 16)] = ga[e, pl.ds(16 * p, 16)] * w
        ga[e, pl.ds(64 + 16 * p, 16)] = w


def _edge_body2(ga, gb, e):
    s = ga[e, pl.ds(48, 16)] + gb[e, pl.ds(0, 16)]
    w = jnp.exp(jnp.maximum(s, 0.2 * s))
    for p in range(3):
        ga[e, pl.ds(16 * p, 16)] = ga[e, pl.ds(16 * p, 16)] * w
    ga[e, pl.ds(48, 16)] = w


def _sc_edge_pass(a_hbm, b_hbm, src_hbm, dst_hbm, zero_hbm, out_hbm,
                  sidx0, sidx1, didx0, didx1, ga0, ga1, gb0, gb1, acc,
                  gsa0, gsb0, gsa1, gsb1, is0, is1, *, edge_body):
    cid = jax.lax.axis_index("c")
    sid = jax.lax.axis_index("s")
    wid = sid * _NC + cid

    pltpu.sync_copy(zero_hbm, acc.at[pl.ds(sid * _ROWS_PER_TILE, _ROWS_PER_TILE)])
    bufs = ((sidx0, didx0, ga0, gb0, gsa0, gsb0, is0),
            (sidx1, didx1, ga1, gb1, gsa1, gsb1, is1))
    c0 = wid * _CHUNKS_PER_TILE
    for b in range(2):
        sidx, didx, ga, gb, gsa, gsb, _ = bufs[b]
        pltpu.sync_copy(src_hbm.at[c0 + b], sidx)
        pltpu.sync_copy(dst_hbm.at[c0 + b], didx)
        pltpu.async_copy(a_hbm.at[sidx], ga, gsa)
        pltpu.async_copy(b_hbm.at[didx], gb, gsb)
    plsc.subcore_barrier()

    @pl.loop(0, _CHUNKS_PER_TILE // 2)
    def _(i):
        for b in range(2):
            sidx, didx, ga, gb, gsa, gsb, isem = bufs[b]
            j = 2 * i + b
            pltpu.make_async_copy(a_hbm.at[sidx], ga, gsa).wait()
            pltpu.make_async_copy(b_hbm.at[didx], gb, gsb).wait()

            @pl.loop(0, _CHUNK)
            def _(e):
                edge_body(ga, gb, e)

            pltpu.sync_copy(ga, acc.at[didx], add=True)

            @pl.when(j + 2 < _CHUNKS_PER_TILE)
            def _():
                c = wid * _CHUNKS_PER_TILE + j + 2
                pltpu.async_copy(src_hbm.at[c], sidx, isem)
                pltpu.async_copy(dst_hbm.at[c], didx, isem)
                pltpu.make_async_copy(src_hbm.at[c], sidx, isem).wait()
                pltpu.make_async_copy(dst_hbm.at[c], didx, isem).wait()
                pltpu.async_copy(a_hbm.at[sidx], ga, gsa)
                pltpu.async_copy(b_hbm.at[didx], gb, gsb)

    plsc.subcore_barrier()
    pltpu.sync_copy(
        acc.at[pl.ds(sid * _ROWS_PER_TILE, _ROWS_PER_TILE)],
        out_hbm.at[pl.ds((cid * _NP + sid * _ROWS_PER_TILE), _ROWS_PER_TILE)],
    )


def _sc_layer(a_tab, b_tab, src2d, dst2d, edge_body):
    zero = jnp.zeros((_ROWS_PER_TILE, 128), jnp.float32)
    mesh = plsc.VectorSubcoreMesh(core_axis_name="c", subcore_axis_name="s")
    kern = pl.kernel(
        functools.partial(_sc_edge_pass, edge_body=edge_body),
        out_type=jax.ShapeDtypeStruct((2 * _NP, 128), jnp.float32),
        mesh=mesh,
        scratch_types=[
            pltpu.VMEM((_CHUNK,), jnp.int32),
            pltpu.VMEM((_CHUNK,), jnp.int32),
            pltpu.VMEM((_CHUNK,), jnp.int32),
            pltpu.VMEM((_CHUNK,), jnp.int32),
            pltpu.VMEM((_CHUNK, 128), jnp.float32),
            pltpu.VMEM((_CHUNK, 128), jnp.float32),
            pltpu.VMEM((_CHUNK, 128), jnp.float32),
            pltpu.VMEM((_CHUNK, 128), jnp.float32),
            pltpu.VMEM_SHARED((_NP, 128), jnp.float32),
            pltpu.SemaphoreType.DMA,
            pltpu.SemaphoreType.DMA,
            pltpu.SemaphoreType.DMA,
            pltpu.SemaphoreType.DMA,
            pltpu.SemaphoreType.DMA,
            pltpu.SemaphoreType.DMA,
        ],
    )
    out = kern(a_tab, b_tab, src2d, dst2d, zero)
    return out.reshape(2, _NP, 128)


def kernel(x, edge_index, W1, a_src1, a_dst1, b1, W2, a_src2, a_dst2, b2):
    n = x.shape[0]
    loops = jnp.arange(n, dtype=jnp.int32)
    padi = jnp.full((_EP - _ETOT,), n, dtype=jnp.int32)
    src = jnp.concatenate([edge_index[0], loops, padi]).reshape(_NCHUNK, _CHUNK)
    dst = jnp.concatenate([edge_index[1], loops, padi]).reshape(_NCHUNK, _CHUNK)

    x_pad = jnp.zeros((_NP, _NFEAT), jnp.float32).at[:n].set(x)

    lane64 = jnp.arange(64)
    headmask = (lane64[:, None] // _C1 == lane64[None, :] // _C1)
    ms = jnp.where(headmask, a_src1.reshape(64)[:, None], 0.0)
    md = jnp.where(headmask, a_dst1.reshape(64)[:, None], 0.0)
    s2 = jnp.broadcast_to(a_src2[0][:, None], (_NCLASS, 16)).astype(jnp.float32)
    d2 = jnp.broadcast_to(a_dst2[0][:, None], (_NCLASS, 16)).astype(jnp.float32)

    blk = 512
    grid = (_NP // blk,)

    a1, btab1 = pl.pallas_call(
        _tc_tables1,
        grid=grid,
        in_specs=[
            pl.BlockSpec((blk, _NFEAT), lambda i: (i, 0)),
            pl.BlockSpec((_NFEAT, 64), lambda i: (0, 0)),
            pl.BlockSpec((64, 64), lambda i: (0, 0)),
            pl.BlockSpec((64, 64), lambda i: (0, 0)),
        ],
        out_specs=[
            pl.BlockSpec((blk, 128), lambda i: (i, 0)),
            pl.BlockSpec((blk, 128), lambda i: (i, 0)),
        ],
        out_shape=[
            jax.ShapeDtypeStruct((_NP, 128), jnp.float32),
            jax.ShapeDtypeStruct((_NP, 128), jnp.float32),
        ],
    )(x_pad, W1, ms, md)

    acc1 = _sc_layer(a1, btab1, src, dst, _edge_body1)

    a2, btab2 = pl.pallas_call(
        _tc_combine1,
        grid=grid,
        in_specs=[
            pl.BlockSpec((2, blk, 128), lambda i: (0, i, 0)),
            pl.BlockSpec((1, 64), lambda i: (0, 0)),
            pl.BlockSpec((64, _NCLASS), lambda i: (0, 0)),
            pl.BlockSpec((_NCLASS, 16), lambda i: (0, 0)),
            pl.BlockSpec((_NCLASS, 16), lambda i: (0, 0)),
        ],
        out_specs=[
            pl.BlockSpec((blk, 128), lambda i: (i, 0)),
            pl.BlockSpec((blk, 128), lambda i: (i, 0)),
        ],
        out_shape=[
            jax.ShapeDtypeStruct((_NP, 128), jnp.float32),
            jax.ShapeDtypeStruct((_NP, 128), jnp.float32),
        ],
    )(acc1, b1.reshape(1, 64), W2, s2, d2)

    acc2 = _sc_layer(a2, btab2, src, dst, _edge_body2)

    out = pl.pallas_call(
        _tc_combine2,
        grid=grid,
        in_specs=[
            pl.BlockSpec((2, blk, 128), lambda i: (0, i, 0)),
            pl.BlockSpec((1, _NCLASS), lambda i: (0, 0)),
        ],
        out_specs=pl.BlockSpec((blk, _NCLASS), lambda i: (i, 0)),
        out_shape=jax.ShapeDtypeStruct((_NP, _NCLASS), jnp.float32),
    )(acc2, b2.reshape(1, _NCLASS))

    return out[:n]

# --- scband reference (transcript-rebuilt; emitter-appended) ---
"""Pipeline reference for scband-gat-8967891714110 (READ-ONLY COPY).

The authoritative reference and input builder live on the scoring server;
editing this copy changes nothing except your own understanding.
"""

import jax, jax.numpy as jnp
import numpy as np

N = 10000
E = 320000
NFEAT = 128
NCLASS = 40
H1, C1 = 8, 8


def setup_inputs(seed: int = 0) -> dict:
    key = jax.random.key(seed)
    ks = jax.random.split(key, 11)
    x = jax.random.normal(ks[0], (N, NFEAT), dtype=jnp.float32)
    edge_index = jax.random.randint(ks[1], (2, E), 0, N, dtype=jnp.int32)
    W1 = jax.random.normal(ks[2], (NFEAT, H1 * C1), dtype=jnp.float32) * (1.0 / np.sqrt(NFEAT))
    a_src1 = jax.random.normal(ks[3], (H1, C1), dtype=jnp.float32) * 0.1
    a_dst1 = jax.random.normal(ks[4], (H1, C1), dtype=jnp.float32) * 0.1
    b1 = jnp.zeros((H1 * C1,), dtype=jnp.float32)
    W2 = jax.random.normal(ks[5], (H1 * C1, NCLASS), dtype=jnp.float32) * (1.0 / np.sqrt(H1 * C1))
    a_src2 = jax.random.normal(ks[6], (1, NCLASS), dtype=jnp.float32) * 0.1
    a_dst2 = jax.random.normal(ks[7], (1, NCLASS), dtype=jnp.float32) * 0.1
    b2 = jnp.zeros((NCLASS,), dtype=jnp.float32)
    return {"x": x, "edge_index": edge_index, "W1": W1, "a_src1": a_src1, "a_dst1": a_dst1,
            "b1": b1, "W2": W2, "a_src2": a_src2, "a_dst2": a_dst2, "b2": b2}


def _gat_conv(xin, src, dst, n_nodes, W, a_src, a_dst, b, heads, ch, concat):
    # x' = W x ; alpha_ij = softmax_j( leaky_relu(a_src . x'_j + a_dst . x'_i) ) over in-edges of i
    h = (xin @ W).reshape(n_nodes, heads, ch)
    alpha_s = (h * a_src[None, :, :]).sum(-1)  # [N, H]
    alpha_d = (h * a_dst[None, :, :]).sum(-1)  # [N, H]
    e = jax.nn.leaky_relu(alpha_s[src] + alpha_d[dst], negative_slope=0.2)  # [E, H]
    m = jax.lax.stop_gradient(jax.ops.segment_max(e, dst, num_segments=n_nodes))
    m = jnp.where(jnp.isfinite(m), m, 0.0)
    ex = jnp.exp(e - m[dst])
    den = jax.ops.segment_sum(ex, dst, num_segments=n_nodes)
    alpha = ex / (den[dst] + 1e-16)  # [E, H]
    msg = h[src] * alpha[:, :, None]  # [E, H, C]
    out = jax.ops.segment_sum(msg, dst, num_segments=n_nodes)  # [N, H, C]
    if concat:
        out = out.reshape(n_nodes, heads * ch)
    else:
        out = out.mean(axis=1)
    return out + b


def reference(x, edge_index, W1, a_src1, a_dst1, b1, W2, a_src2, a_dst2, b2):
    n_nodes = x.shape[0]
    # PyG GATConv default: add self-loops
    loops = jnp.arange(n_nodes, dtype=edge_index.dtype)
    ei = jnp.concatenate([edge_index, jnp.stack([loops, loops], axis=0)], axis=1)
    src, dst = ei[0], ei[1]
    x1 = _gat_conv(x, src, dst, n_nodes, W1, a_src1, a_dst1, b1, H1, C1, True)
    x1 = jax.nn.elu(x1)
    out = _gat_conv(x1, src, dst, n_nodes, W2, a_src2, a_dst2, b2, 1, NCLASS, True)
    return out

if __name__ == "__main__":
    import jax
    _d = setup_inputs()
    print(jax.jit(kernel)(*tuple(_d.values())))

</pallas_src>

<mosaic_0001>
#map = affine_map<(d0, d1) -> (0, 0)>
module attributes {stable_mosaic.version = 14 : i64} {
  func.func @_sc_edge_pass(%arg0: i32, %arg1: i32, %arg2: memref<10240x128xf32, #tpu.memory_space<hbm>>, %arg3: memref<10240x128xf32, #tpu.memory_space<hbm>>, %arg4: memref<4160x80xi32, #tpu.memory_space<hbm>>, %arg5: memref<4160x80xi32, #tpu.memory_space<hbm>>, %arg6: memref<640x128xf32, #tpu.memory_space<hbm>>, %arg7: memref<20480x128xf32, #tpu.memory_space<hbm>>, %arg8: memref<80xi32, #tpu.memory_space<vmem>>, %arg9: memref<80xi32, #tpu.memory_space<vmem>>, %arg10: memref<80xi32, #tpu.memory_space<vmem>>, %arg11: memref<80xi32, #tpu.memory_space<vmem>>, %arg12: memref<80x128xf32, #tpu.memory_space<vmem>>, %arg13: memref<80x128xf32, #tpu.memory_space<vmem>>, %arg14: memref<80x128xf32, #tpu.memory_space<vmem>>, %arg15: memref<80x128xf32, #tpu.memory_space<vmem>>, %arg16: memref<10240x128xf32, #tpu.memory_space<vmem_shared>>, %arg17: memref<!tpu.dma_semaphore, #tpu.memory_space<semaphore_mem>>, %arg18: memref<!tpu.dma_semaphore, #tpu.memory_space<semaphore_mem>>, %arg19: memref<!tpu.dma_semaphore, #tpu.memory_space<semaphore_mem>>, %arg20: memref<!tpu.dma_semaphore, #tpu.memory_space<semaphore_mem>>, %arg21: memref<!tpu.dma_semaphore, #tpu.memory_space<semaphore_mem>>, %arg22: memref<!tpu.dma_semaphore, #tpu.memory_space<semaphore_mem>>) attributes {dimension_semantics = [#tpu.dimension_semantics<core_parallel>, #tpu.dimension_semantics<subcore_parallel>], iteration_bounds = array<i64: 2, 16>, scalar_prefetch = 0 : i64, scratch_operands = 15 : i64, tpu.core_type = #tpu.core_type<sc_vector_subcore>, window_params = [{transform_indices = #map}, {transform_indices = #map}, {transform_indices = #map}, {transform_indices = #map}, {transform_indices = #map}, {transform_indices = #map}]} {
    %mul3A = arith.constant 2 : i32
    %mul3A_0 = arith.muli %arg1, %mul3A : i32
    %add3A = arith.addi %mul3A_0, %arg0 : i32
    %mul3A_1 = arith.constant 640 : i32
    %mul3A_2 = arith.muli %arg1, %mul3A_1 : i32
    "tpu.region"() ({
      %run_scoped3A = tpu.sem_alloc : memref<!tpu.dma_semaphore, #tpu.memory_space<semaphore_mem>>
      %dma_start3A_36 = arith.constant 0 : i32
      %dma_start3A_37 = tpu.memref_slice %arg16[%mul3A_2, %dma_start3A_36] : memref<10240x128xf32, #tpu.memory_space<vmem_shared>> -> memref<640x128xf32, #tpu.memory_space<vmem_shared>>
      tpu.enqueue_dma source(%arg6 : memref<640x128xf32, #tpu.memory_space<hbm>>) target(%dma_start3A_37 : memref<640x128xf32, #tpu.memory_space<vmem_shared>>) target_semaphore(%run_scoped3A : memref<!tpu.dma_semaphore, #tpu.memory_space<semaphore_mem>>)
      %dma_wait3A = arith.constant 0 : i32
      %dma_wait3A_38 = tpu.memref_slice %arg16[%mul3A_2, %dma_wait3A] : memref<10240x128xf32, #tpu.memory_space<vmem_shared>> -> memref<640x128xf32, #tpu.memory_space<vmem_shared>>
      tpu.wait_dma2 semaphore(%run_scoped3A : memref<!tpu.dma_semaphore, #tpu.memory_space<semaphore_mem>>) src(%arg6 : memref<640x128xf32, #tpu.memory_space<hbm>>) dst(%dma_wait3A_38 : memref<640x128xf32, #tpu.memory_space<vmem_shared>>)
      tpu.yield
    }) : () -> ()
    %mul3A_3 = arith.constant 130 : i32
    %mul3A_4 = arith.muli %add3A, %mul3A_3 : i32
    %add3A_5 = arith.constant 0 : i32
    %add3A_6 = arith.addi %mul3A_4, %add3A_5 : i32
    "tpu.region"() ({
      %run_scoped3A = tpu.sem_alloc : memref<!tpu.dma_semaphore, #tpu.memory_space<semaphore_mem>>
      %dma_start3A_36 = arith.constant 0 : i32
      %dma_start3A_37 = tpu.memref_slice %arg4[%add3A_6, %dma_start3A_36] : memref<4160x80xi32, #tpu.memory_space<hbm>> -> memref<1x80xi32, #tpu.memory_space<hbm>>
      %dma_start3A_38 = tpu.memref_squeeze %dma_start3A_37 : memref<1x80xi32, #tpu.memory_space<hbm>> -> memref<80xi32, #tpu.memory_space<hbm>>
      %dma_start3A_39 = arith.constant 0 : i32
      %dma_start3A_40 = tpu.memref_slice %arg4[%add3A_6, %dma_start3A_39] : memref<4160x80xi32, #tpu.memory_space<hbm>> -> memref<1x80xi32, #tpu.memory_space<hbm>>
      %dma_start3A_41 = tpu.memref_squeeze %dma_start3A_40 : memref<1x80xi32, #tpu.memory_space<hbm>> -> memref<80xi32, #tpu.memory_space<hbm>>
      tpu.enqueue_dma source(%dma_start3A_41 : memref<80xi32, #tpu.memory_space<hbm>>) target(%arg8 : memref<80xi32, #tpu.memory_space<vmem>>) target_semaphore(%run_scoped3A : memref<!tpu.dma_semaphore, #tpu.memory_space<semaphore_mem>>)
      %dma_wait3A = arith.constant 0 : i32
      %dma_wait3A_42 = tpu.memref_slice %arg4[%add3A_6, %dma_wait3A] : memref<4160x80xi32, #tpu.memory_space<hbm>> -> memref<1x80xi32, #tpu.memory_space<hbm>>
      %dma_wait3A_43 = tpu.memref_squeeze %dma_wait3A_42 : memref<1x80xi32, #tpu.memory_space<hbm>> -> memref<80xi32, #tpu.memory_space<hbm>>
      %dma_wait3A_44 = arith.constant 0 : i32
      %dma_wait3A_45 = tpu.memref_slice %arg4[%add3A_6, %dma_wait3A_44] : memref<4160x80xi32, #tpu.memory_space<hbm>> -> memref<1x80xi32, #tpu.memory_space<hbm>>
      %dma_wait3A_46 = tpu.memref_squeeze %dma_wait3A_45 : memref<1x80xi32, #tpu.memory_space<hbm>> -> memref<80xi32, #tpu.memory_space<hbm>>
      tpu.wait_dma2 semaphore(%run_scoped3A : memref<!tpu.dma_semaphore, #tpu.memory_space<semaphore_mem>>) src(%dma_wait3A_46 : memref<80xi32, #tpu.memory_space<hbm>>) dst(%arg8 : memref<80xi32, #tpu.memory_space<vmem>>)
      tpu.yield
    }) : () -> ()
    %add3A_7 = arith.constant 0 : i32
    %add3A_8 = arith.addi %mul3A_4, %add3A_7 : i32
    "tpu.region"() ({
      %run_scoped3A = tpu.sem_alloc : memref<!tpu.dma_semaphore, #tpu.memory_space<semaphore_mem>>
      %dma_start3A_36 = arith.constant 0 : i32
      %dma_start3A_37 = tpu.memref_slice %arg5[%add3A_8, %dma_start3A_36] : memref<4160x80xi32, #tpu.memory_space<hbm>> -> memref<1x80xi32, #tpu.memory_space<hbm>>
      %dma_start3A_38 = tpu.memref_squeeze %dma_start3A_37 : memref<1x80xi32, #tpu.memory_space<hbm>> -> memref<80xi32, #tpu.memory_space<hbm>>
      %dma_start3A_39 = arith.constant 0 : i32
      %dma_start3A_40 = tpu.memref_slice %arg5[%add3A_8, %dma_start3A_39] : memref<4160x80xi32, #tpu.memory_space<hbm>> -> memref<1x80xi32, #tpu.memory_space<hbm>>
      %dma_start3A_41 = tpu.memref_squeeze %dma_start3A_40 : memref<1x80xi32, #tpu.memory_space<hbm>> -> memref<80xi32, #tpu.memory_space<hbm>>
      tpu.enqueue_dma source(%dma_start3A_41 : memref<80xi32, #tpu.memory_space<hbm>>) target(%arg10 : memref<80xi32, #tpu.memory_space<vmem>>) target_semaphore(%run_scoped3A : memref<!tpu.dma_semaphore, #tpu.memory_space<semaphore_mem>>)
      %dma_wait3A = arith.constant 0 : i32
      %dma_wait3A_42 = tpu.memref_slice %arg5[%add3A_8, %dma_wait3A] : memref<4160x80xi32, #tpu.memory_space<hbm>> -> memref<1x80xi32, #tpu.memory_space<hbm>>
      %dma_wait3A_43 = tpu.memref_squeeze %dma_wait3A_42 : memref<1x80xi32, #tpu.memory_space<hbm>> -> memref<80xi32, #tpu.memory_space<hbm>>
      %dma_wait3A_44 = arith.constant 0 : i32
      %dma_wait3A_45 = tpu.memref_slice %arg5[%add3A_8, %dma_wait3A_44] : memref<4160x80xi32, #tpu.memory_space<hbm>> -> memref<1x80xi32, #tpu.memory_space<hbm>>
      %dma_wait3A_46 = tpu.memref_squeeze %dma_wait3A_45 : memref<1x80xi32, #tpu.memory_space<hbm>> -> memref<80xi32, #tpu.memory_space<hbm>>
      tpu.wait_dma2 semaphore(%run_scoped3A : memref<!tpu.dma_semaphore, #tpu.memory_space<semaphore_mem>>) src(%dma_wait3A_46 : memref<80xi32, #tpu.memory_space<hbm>>) dst(%arg10 : memref<80xi32, #tpu.memory_space<vmem>>)
      tpu.yield
    }) : () -> ()
    %dma_start3A = arith.constant 0 : i32
    %dma_start3A_9 = arith.constant 0 : i32
    %dma_start3A_10 = tpu.memref_slice %arg2[%dma_start3A, %dma_start3A_9] : memref<10240x128xf32, #tpu.memory_space<hbm>> -> memref<10240x128xf32, #tpu.memory_space<hbm>>
    tpu.enqueue_indirect_dma source(%dma_start3A_10 : memref<10240x128xf32, #tpu.memory_space<hbm>>) target(%arg12 : memref<80x128xf32, #tpu.memory_space<vmem>>) offsets(%arg8 : memref<80xi32, #tpu.memory_space<vmem>>) semaphore(%arg17 : memref<!tpu.dma_semaphore, #tpu.memory_space<semaphore_mem>>)
    %dma_start3A_11 = arith.constant 0 : i32
    %dma_start3A_12 = arith.constant 0 : i32
    %dma_start3A_13 = tpu.memref_slice %arg3[%dma_start3A_11, %dma_start3A_12] : memref<10240x128xf32, #tpu.memory_space<hbm>> -> memref<10240x128xf32, #tpu.memory_space<hbm>>
    tpu.enqueue_indirect_dma source(%dma_start3A_13 : memref<10240x128xf32, #tpu.memory_space<hbm>>) target(%arg14 : memref<80x128xf32, #tpu.memory_space<vmem>>) offsets(%arg10 : memref<80xi32, #tpu.memory_space<vmem>>) semaphore(%arg18 : memref<!tpu.dma_semaphore, #tpu.memory_space<semaphore_mem>>)
    %add3A_14 = arith.constant 1 : i32
    %add3A_15 = arith.addi %mul3A_4, %add3A_14 : i32
    "tpu.region"() ({
      %run_scoped3A = tpu.sem_alloc : memref<!tpu.dma_semaphore, #tpu.memory_space<semaphore_mem>>
      %dma_start3A_36 = arith.constant 0 : i32
      %dma_start3A_37 = tpu.memref_slice %arg4[%add3A_15, %dma_start3A_36] : memref<4160x80xi32, #tpu.memory_space<hbm>> -> memref<1x80xi32, #tpu.memory_space<hbm>>
      %dma_start3A_38 = tpu.memref_squeeze %dma_start3A_37 : memref<1x80xi32, #tpu.memory_space<hbm>> -> memref<80xi32, #tpu.memory_space<hbm>>
      %dma_start3A_39 = arith.constant 0 : i32
      %dma_start3A_40 = tpu.memref_slice %arg4[%add3A_15, %dma_start3A_39] : memref<4160x80xi32, #tpu.memory_space<hbm>> -> memref<1x80xi32, #tpu.memory_space<hbm>>
      %dma_start3A_41 = tpu.memref_squeeze %dma_start3A_40 : memref<1x80xi32, #tpu.memory_space<hbm>> -> memref<80xi32, #tpu.memory_space<hbm>>
      tpu.enqueue_dma source(%dma_start3A_41 : memref<80xi32, #tpu.memory_space<hbm>>) target(%arg9 : memref<80xi32, #tpu.memory_space<vmem>>) target_semaphore(%run_scoped3A : memref<!tpu.dma_semaphore, #tpu.memory_space<semaphore_mem>>)
      %dma_wait3A = arith.constant 0 : i32
      %dma_wait3A_42 = tpu.memref_slice %arg4[%add3A_15, %dma_wait3A] : memref<4160x80xi32, #tpu.memory_space<hbm>> -> memref<1x80xi32, #tpu.memory_space<hbm>>
      %dma_wait3A_43 = tpu.memref_squeeze %dma_wait3A_42 : memref<1x80xi32, #tpu.memory_space<hbm>> -> memref<80xi32, #tpu.memory_space<hbm>>
      %dma_wait3A_44 = arith.constant 0 : i32
      %dma_wait3A_45 = tpu.memref_slice %arg4[%add3A_15, %dma_wait3A_44] : memref<4160x80xi32, #tpu.memory_space<hbm>> -> memref<1x80xi32, #tpu.memory_space<hbm>>
      %dma_wait3A_46 = tpu.memref_squeeze %dma_wait3A_45 : memref<1x80xi32, #tpu.memory_space<hbm>> -> memref<80xi32, #tpu.memory_space<hbm>>
      tpu.wait_dma2 semaphore(%run_scoped3A : memref<!tpu.dma_semaphore, #tpu.memory_space<semaphore_mem>>) src(%dma_wait3A_46 : memref<80xi32, #tpu.memory_space<hbm>>) dst(%arg9 : memref<80xi32, #tpu.memory_space<vmem>>)
      tpu.yield
    }) : () -> ()
    %add3A_16 = arith.constant 1 : i32
    %add3A_17 = arith.addi %mul3A_4, %add3A_16 : i32
    "tpu.region"() ({
      %run_scoped3A = tpu.sem_alloc : memref<!tpu.dma_semaphore, #tpu.memory_space<semaphore_mem>>
      %dma_start3A_36 = arith.constant 0 : i32
      %dma_start3A_37 = tpu.memref_slice %arg5[%add3A_17, %dma_start3A_36] : memref<4160x80xi32, #tpu.memory_space<hbm>> -> memref<1x80xi32, #tpu.memory_space<hbm>>
      %dma_start3A_38 = tpu.memref_squeeze %dma_start3A_37 : memref<1x80xi32, #tpu.memory_space<hbm>> -> memref<80xi32, #tpu.memory_space<hbm>>
      %dma_start3A_39 = arith.constant 0 : i32
      %dma_start3A_40 = tpu.memref_slice %arg5[%add3A_17, %dma_start3A_39] : memref<4160x80xi32, #tpu.memory_space<hbm>> -> memref<1x80xi32, #tpu.memory_space<hbm>>
      %dma_start3A_41 = tpu.memref_squeeze %dma_start3A_40 : memref<1x80xi32, #tpu.memory_space<hbm>> -> memref<80xi32, #tpu.memory_space<hbm>>
      tpu.enqueue_dma source(%dma_start3A_41 : memref<80xi32, #tpu.memory_space<hbm>>) target(%arg11 : memref<80xi32, #tpu.memory_space<vmem>>) target_semaphore(%run_scoped3A : memref<!tpu.dma_semaphore, #tpu.memory_space<semaphore_mem>>)
      %dma_wait3A = arith.constant 0 : i32
      %dma_wait3A_42 = tpu.memref_slice %arg5[%add3A_17, %dma_wait3A] : memref<4160x80xi32, #tpu.memory_space<hbm>> -> memref<1x80xi32, #tpu.memory_space<hbm>>
      %dma_wait3A_43 = tpu.memref_squeeze %dma_wait3A_42 : memref<1x80xi32, #tpu.memory_space<hbm>> -> memref<80xi32, #tpu.memory_space<hbm>>
      %dma_wait3A_44 = arith.constant 0 : i32
      %dma_wait3A_45 = tpu.memref_slice %arg5[%add3A_17, %dma_wait3A_44] : memref<4160x80xi32, #tpu.memory_space<hbm>> -> memref<1x80xi32, #tpu.memory_space<hbm>>
      %dma_wait3A_46 = tpu.memref_squeeze %dma_wait3A_45 : memref<1x80xi32, #tpu.memory_space<hbm>> -> memref<80xi32, #tpu.memory_space<hbm>>
      tpu.wait_dma2 semaphore(%run_scoped3A : memref<!tpu.dma_semaphore, #tpu.memory_space<semaphore_mem>>) src(%dma_wait3A_46 : memref<80xi32, #tpu.memory_space<hbm>>) dst(%arg11 : memref<80xi32, #tpu.memory_space<vmem>>)
      tpu.yield
    }) : () -> ()
    %dma_start3A_18 = arith.constant 0 : i32
    %dma_start3A_19 = arith.constant 0 : i32
    %dma_start3A_20 = tpu.memref_slice %arg2[%dma_start3A_18, %dma_start3A_19] : memref<10240x128xf32, #tpu.memory_space<hbm>> -> memref<10240x128xf32, #tpu.memory_space<hbm>>
    tpu.enqueue_indirect_dma source(%dma_start3A_20 : memref<10240x128xf32, #tpu.memory_space<hbm>>) target(%arg13 : memref<80x128xf32, #tpu.memory_space<vmem>>) offsets(%arg9 : memref<80xi32, #tpu.memory_space<vmem>>) semaphore(%arg19 : memref<!tpu.dma_semaphore, #tpu.memory_space<semaphore_mem>>)
    %dma_start3A_21 = arith.constant 0 : i32
    %dma_start3A_22 = arith.constant 0 : i32
    %dma_start3A_23 = tpu.memref_slice %arg3[%dma_start3A_21, %dma_start3A_22] : memref<10240x128xf32, #tpu.memory_space<hbm>> -> memref<10240x128xf32, #tpu.memory_space<hbm>>
    tpu.enqueue_indirect_dma source(%dma_start3A_23 : memref<10240x128xf32, #tpu.memory_space<hbm>>) target(%arg15 : memref<80x128xf32, #tpu.memory_space<vmem>>) offsets(%arg11 : memref<80xi32, #tpu.memory_space<vmem>>) semaphore(%arg20 : memref<!tpu.dma_semaphore, #tpu.memory_space<semaphore_mem>>)
    %barrier3A = arith.constant 0 : index
    tpu.barrier barrier_id(%barrier3A)
    %scan3A = arith.constant 0 : i32
    %scan3A_24 = arith.constant 65 : i32
    %scan3A_25 = arith.addi %scan3A, %scan3A_24 : i32
    %scan3A_26 = arith.constant 1 : i32
    scf.for %scan3A_36 = %scan3A to %scan3A_25 step %scan3A_26  : i32 {
      %mul3A_37 = arith.constant 1 : i32
      %mul3A_38 = arith.muli %scan3A_36, %mul3A_37 : i32
      %add3A_39 = arith.constant 0 : i32
      %add3A_40 = arith.addi %add3A_39, %mul3A_38 : i32
      %mul3A_41 = arith.constant 2 : i32
      %mul3A_42 = arith.muli %mul3A_41, %add3A_40 : i32
      %add3A_43 = arith.constant 0 : i32
      %add3A_44 = arith.addi %mul3A_42, %add3A_43 : i32
      %dma_wait3A = arith.constant 0 : i32
      %dma_wait3A_45 = arith.constant 0 : i32
      %dma_wait3A_46 = tpu.memref_slice %arg2[%dma_wait3A, %dma_wait3A_45] : memref<10240x128xf32, #tpu.memory_space<hbm>> -> memref<10240x128xf32, #tpu.memory_space<hbm>>
      tpu.wait_indirect_dma semaphore(%arg17 : memref<!tpu.dma_semaphore, #tpu.memory_space<semaphore_mem>>) src(%dma_wait3A_46 : memref<10240x128xf32, #tpu.memory_space<hbm>>) dst(%arg12 : memref<80x128xf32, #tpu.memory_space<vmem>>)
      %dma_wait3A_47 = arith.constant 0 : i32
      %dma_wait3A_48 = arith.constant 0 : i32
      %dma_wait3A_49 = tpu.memref_slice %arg3[%dma_wait3A_47, %dma_wait3A_48] : memref<10240x128xf32, #tpu.memory_space<hbm>> -> memref<10240x128xf32, #tpu.memory_space<hbm>>
      tpu.wait_indirect_dma semaphore(%arg18 : memref<!tpu.dma_semaphore, #tpu.memory_space<semaphore_mem>>) src(%dma_wait3A_49 : memref<10240x128xf32, #tpu.memory_space<hbm>>) dst(%arg14 : memref<80x128xf32, #tpu.memory_space<vmem>>)
      %scan3A_50 = arith.constant 0 : i32
      %scan3A_51 = arith.constant 80 : i32
      %scan3A_52 = arith.addi %scan3A_50, %scan3A_51 : i32
      %scan3A_53 = arith.constant 1 : i32
      scf.for %scan3A_81 = %scan3A_50 to %scan3A_52 step %scan3A_53  : i32 {
        %mul3A_82 = arith.constant 1 : i32
        %mul3A_83 = arith.muli %scan3A_81, %mul3A_82 : i32
        %add3A_84 = arith.constant 0 : i32
        %add3A_85 = arith.addi %add3A_84, %mul3A_83 : i32
        %get3A = arith.index_cast %add3A_85 : i32 to index
        %get3A_86 = arith.constant 64 : index
        %get3A_87 = tpu.vector_load %arg12[%get3A, %get3A_86] {strides = array<i32>} : memref<80x128xf32, #tpu.memory_space<vmem>>, vector<1x16xf32>,
        %get3A_88 = vector.shape_cast %get3A_87 : vector<1x16xf32> to vector<16xf32>
        %get3A_89 = arith.index_cast %add3A_85 : i32 to index
        %get3A_90 = arith.constant 0 : index
        %get3A_91 = tpu.vector_load %arg14[%get3A_89, %get3A_90] {strides = array<i32>} : memref<80x128xf32, #tpu.memory_space<vmem>>, vector<1x16xf32>,
        %get3A_92 = vector.shape_cast %get3A_91 : vector<1x16xf32> to vector<16xf32>
        %add3A_93 = arith.addf %get3A_88, %get3A_92 : vector<16xf32>
        %mul3A_94 = arith.constant 2.000000e-01 : f32
        %mul3A_95 = vector.broadcast %mul3A_94 : f32 to vector<16xf32>
        %mul3A_96 = arith.mulf %mul3A_95, %add3A_93 : vector<16xf32>
        %max3A = arith.maximumf %add3A_93, %mul3A_96 : vector<16xf32>
        %exp3A = math.exp %max3A : vector<16xf32>
        %get3A_97 = arith.index_cast %add3A_85 : i32 to index
        %get3A_98 = arith.constant 0 : index
        %get3A_99 = tpu.vector_load %arg12[%get3A_97, %get3A_98] {strides = array<i32>} : memref<80x128xf32, #tpu.memory_space<vmem>>, vector<1x16xf32>,
        %get3A_100 = vector.shape_cast %get3A_99 : vector<1x16xf32> to vector<16xf32>
        %mul3A_101 = arith.mulf %get3A_100, %exp3A : vector<16xf32>
        %swap3A = arith.index_cast %add3A_85 : i32 to index
        %swap3A_102 = arith.constant 0 : index
        %swap3A_103 = tpu.vector_load %arg12[%swap3A, %swap3A_102] {strides = array<i32>} : memref<80x128xf32, #tpu.memory_space<vmem>>, vector<1x16xf32>,
        %swap3A_104 = vector.shape_cast %swap3A_103 : vector<1x16xf32> to vector<16xf32>
        %swap3A_105 = vector.shape_cast %mul3A_101 : vector<16xf32> to vector<1x16xf32>
        tpu.vector_store %arg12[%swap3A, %swap3A_102], %swap3A_105 {strides = array<i32>} : memref<80x128xf32, #tpu.memory_space<vmem>>, vector<1x16xf32>,
        %swap3A_106 = arith.index_cast %add3A_85 : i32 to index
        %swap3A_107 = arith.constant 64 : index
        %swap3A_108 = tpu.vector_load %arg12[%swap3A_106, %swap3A_107] {strides = array<i32>} : memref<80x128xf32, #tpu.memory_space<vmem>>, vector<1x16xf32>,
        %swap3A_109 = vector.shape_cast %swap3A_108 : vector<1x16xf32> to vector<16xf32>
        %swap3A_110 = vector.shape_cast %exp3A : vector<16xf32> to vector<1x16xf32>
        tpu.vector_store %arg12[%swap3A_106, %swap3A_107], %swap3A_110 {strides = array<i32>} : memref<80x128xf32, #tpu.memory_space<vmem>>, vector<1x16xf32>,
        %get3A_111 = arith.index_cast %add3A_85 : i32 to index
        %get3A_112 = arith.constant 80 : index
        %get3A_113 = tpu.vector_load %arg12[%get3A_111, %get3A_112] {strides = array<i32>} : memref<80x128xf32, #tpu.memory_space<vmem>>, vector<1x16xf32>,
        %get3A_114 = vector.shape_cast %get3A_113 : vector<1x16xf32> to vector<16xf32>
        %get3A_115 = arith.index_cast %add3A_85 : i32 to index
        %get3A_116 = arith.constant 16 : index
        %get3A_117 = tpu.vector_load %arg14[%get3A_115, %get3A_116] {strides = array<i32>} : memref<80x128xf32, #tpu.memory_space<vmem>>, vector<1x16xf32>,
        %get3A_118 = vector.shape_cast %get3A_117 : vector<1x16xf32> to vector<16xf32>
        %add3A_119 = arith.addf %get3A_114, %get3A_118 : vector<16xf32>
        %mul3A_120 = arith.constant 2.000000e-01 : f32
        %mul3A_121 = vector.broadcast %mul3A_120 : f32 to vector<16xf32>
        %mul3A_122 = arith.mulf %mul3A_121, %add3A_119 : vector<16xf32>
        %max3A_123 = arith.maximumf %add3A_119, %mul3A_122 : vector<16xf32>
        %exp3A_124 = math.exp %max3A_123 : vector<16xf32>
        %get3A_125 = arith.index_cast %add3A_85 : i32 to index
        %get3A_126 = arith.constant 16 : index
        %get3A_127 = tpu.vector_load %arg12[%get3A_125, %get3A_126] {strides = array<i32>} : memref<80x128xf32, #tpu.memory_space<vmem>>, vector<1x16xf32>,
        %get3A_128 = vector.shape_cast %get3A_127 : vector<1x16xf32> to vector<16xf32>
        %mul3A_129 = arith.mulf %get3A_128, %exp3A_124 : vector<16xf32>
        %swap3A_130 = arith.index_cast %add3A_85 : i32 to index
        %swap3A_131 = arith.constant 16 : index
        %swap3A_132 = tpu.vector_load %arg12[%swap3A_130, %swap3A_131] {strides = array<i32>} : memref<80x128xf32, #tpu.memory_space<vmem>>, vector<1x16xf32>,
        %swap3A_133 = vector.shape_cast %swap3A_132 : vector<1x16xf32> to vector<16xf32>
        %swap3A_134 = vector.shape_cast %mul3A_129 : vector<16xf32> to vector<1x16xf32>
        tpu.vector_store %arg12[%swap3A_130, %swap3A_131], %swap3A_134 {strides = array<i32>} : memref<80x128xf32, #tpu.memory_space<vmem>>, vector<1x16xf32>,
        %swap3A_135 = arith.index_cast %add3A_85 : i32 to index
        %swap3A_136 = arith.constant 80 : index
        %swap3A_137 = tpu.vector_load %arg12[%swap3A_135, %swap3A_136] {strides = array<i32>} : memref<80x128xf32, #tpu.memory_space<vmem>>, vector<1x16xf32>,
        %swap3A_138 = vector.shape_cast %swap3A_137 : vector<1x16xf32> to vector<16xf32>
        %swap3A_139 = vector.shape_cast %exp3A_124 : vector<16xf32> to vector<1x16xf32>
        tpu.vector_store %arg12[%swap3A_135, %swap3A_136], %swap3A_139 {strides = array<i32>} : memref<80x128xf32, #tpu.memory_space<vmem>>, vector<1x16xf32>,
        %get3A_140 = arith.index_cast %add3A_85 : i32 to index
        %get3A_141 = arith.constant 96 : index
        %get3A_142 = tpu.vector_load %arg12[%get3A_140, %get3A_141] {strides = array<i32>} : memref<80x128xf32, #tpu.memory_space<vmem>>, vector<1x16xf32>,
        %get3A_143 = vector.shape_cast %get3A_142 : vector<1x16xf32> to vector<16xf32>
        %get3A_144 = arith.index_cast %add3A_85 : i32 to index
        %get3A_145 = arith.constant 32 : index
        %get3A_146 = tpu.vector_load %arg14[%get3A_144, %get3A_145] {strides = array<i32>} : memref<80x128xf32, #tpu.memory_space<vmem>>, vector<1x16xf32>,
        %get3A_147 = vector.shape_cast %get3A_146 : vector<1x16xf32> to vector<16xf32>
        %add3A_148 = arith.addf %get3A_143, %get3A_147 : vector<16xf32>
        %mul3A_149 = arith.constant 2.000000e-01 : f32
        %mul3A_150 = vector.broadcast %mul3A_149 : f32 to vector<16xf32>
        %mul3A_151 = arith.mulf %mul3A_150, %add3A_148 : vector<16xf32>
        %max3A_152 = arith.maximumf %add3A_148, %mul3A_151 : vector<16xf32>
        %exp3A_153 = math.exp %max3A_152 : vector<16xf32>
        %get3A_154 = arith.index_cast %add3A_85 : i32 to index
        %get3A_155 = arith.constant 32 : index
        %get3A_156 = tpu.vector_load %arg12[%get3A_154, %get3A_155] {strides = array<i32>} : memref<80x128xf32, #tpu.memory_space<vmem>>, vector<1x16xf32>,
        %get3A_157 = vector.shape_cast %get3A_156 : vector<1x16xf32> to vector<16xf32>
        %mul3A_158 = arith.mulf %get3A_157, %exp3A_153 : vector<16xf32>
        %swap3A_159 = arith.index_cast %add3A_85 : i32 to index
        %swap3A_160 = arith.constant 32 : index
        %swap3A_161 = tpu.vector_load %arg12[%swap3A_159, %swap3A_160] {strides = array<i32>} : memref<80x128xf32, #tpu.memory_space<vmem>>, vector<1x16xf32>,
        %swap3A_162 = vector.shape_cast %swap3A_161 : vector<1x16xf32> to vector<16xf32>
        %swap3A_163 = vector.shape_cast %mul3A_158 : vector<16xf32> to vector<1x16xf32>
        tpu.vector_store %arg12[%swap3A_159, %swap3A_160], %swap3A_163 {strides = array<i32>} : memref<80x128xf32, #tpu.memory_space<vmem>>, vector<1x16xf32>,
        %swap3A_164 = arith.index_cast %add3A_85 : i32 to index
        %swap3A_165 = arith.constant 96 : index
        %swap3A_166 = tpu.vector_load %arg12[%swap3A_164, %swap3A_165] {strides = array<i32>} : memref<80x128xf32, #tpu.memory_space<vmem>>, vector<1x16xf32>,
        %swap3A_167 = vector.shape_cast %swap3A_166 : vector<1x16xf32> to vector<16xf32>
        %swap3A_168 = vector.shape_cast %exp3A_153 : vector<16xf32> to vector<1x16xf32>
        tpu.vector_store %arg12[%swap3A_164, %swap3A_165], %swap3A_168 {strides = array<i32>} : memref<80x128xf32, #tpu.memory_space<vmem>>, vector<1x16xf32>,
        %get3A_169 = arith.index_cast %add3A_85 : i32 to index
        %get3A_170 = arith.constant 112 : index
        %get3A_171 = tpu.vector_load %arg12[%get3A_169, %get3A_170] {strides = array<i32>} : memref<80x128xf32, #tpu.memory_space<vmem>>, vector<1x16xf32>,
        %get3A_172 = vector.shape_cast %get3A_171 : vector<1x16xf32> to vector<16xf32>
        %get3A_173 = arith.index_cast %add3A_85 : i32 to index
        %get3A_174 = arith.constant 48 : index
        %get3A_175 = tpu.vector_load %arg14[%get3A_173, %get3A_174] {strides = array<i32>} : memref<80x128xf32, #tpu.memory_space<vmem>>, vector<1x16xf32>,
        %get3A_176 = vector.shape_cast %get3A_175 : vector<1x16xf32> to vector<16xf32>
        %add3A_177 = arith.addf %get3A_172, %get3A_176 : vector<16xf32>
        %mul3A_178 = arith.constant 2.000000e-01 : f32
        %mul3A_179 = vector.broadcast %mul3A_178 : f32 to vector<16xf32>
        %mul3A_180 = arith.mulf %mul3A_179, %add3A_177 : vector<16xf32>
        %max3A_181 = arith.maximumf %add3A_177, %mul3A_180 : vector<16xf32>
        %exp3A_182 = math.exp %max3A_181 : vector<16xf32>
        %get3A_183 = arith.index_cast %add3A_85 : i32 to index
        %get3A_184 = arith.constant 48 : index
        %get3A_185 = tpu.vector_load %arg12[%get3A_183, %get3A_184] {strides = array<i32>} : memref<80x128xf32, #tpu.memory_space<vmem>>, vector<1x16xf32>,
        %get3A_186 = vector.shape_cast %get3A_185 : vector<1x16xf32> to vector<16xf32>
        %mul3A_187 = arith.mulf %get3A_186, %exp3A_182 : vector<16xf32>
        %swap3A_188 = arith.index_cast %add3A_85 : i32 to index
        %swap3A_189 = arith.constant 48 : index
        %swap3A_190 = tpu.vector_load %arg12[%swap3A_188, %swap3A_189] {strides = array<i32>} : memref<80x128xf32, #tpu.memory_space<vmem>>, vector<1x16xf32>,
        %swap3A_191 = vector.shape_cast %swap3A_190 : vector<1x16xf32> to vector<16xf32>
        %swap3A_192 = vector.shape_cast %mul3A_187 : vector<16xf32> to vector<1x16xf32>
        tpu.vector_store %arg12[%swap3A_188, %swap3A_189], %swap3A_192 {strides = array<i32>} : memref<80x128xf32, #tpu.memory_space<vmem>>, vector<1x16xf32>,
        %swap3A_193 = arith.index_cast %add3A_85 : i32 to index
        %swap3A_194 = arith.constant 112 : index
        %swap3A_195 = tpu.vector_load %arg12[%swap3A_193, %swap3A_194] {strides = array<i32>} : memref<80x128xf32, #tpu.memory_space<vmem>>, vector<1x16xf32>,
        %swap3A_196 = vector.shape_cast %swap3A_195 : vector<1x16xf32> to vector<16xf32>
        %swap3A_197 = vector.shape_cast %exp3A_182 : vector<16xf32> to vector<1x16xf32>
        tpu.vector_store %arg12[%swap3A_193, %swap3A_194], %swap3A_197 {strides = array<i32>} : memref<80x128xf32, #tpu.memory_space<vmem>>, vector<1x16xf32>,
      }
      %scan3A_54 = arith.constant 80 : i32
      "tpu.region"() ({
        %run_scoped3A = tpu.sem_alloc : memref<!tpu.dma_semaphore, #tpu.memory_space<semaphore_mem>>
        %dma_start3A_81 = arith.constant 0 : i32
        %dma_start3A_82 = arith.constant 0 : i32
        %dma_start3A_83 = tpu.memref_slice %arg16[%dma_start3A_81, %dma_start3A_82] : memref<10240x128xf32, #tpu.memory_space<vmem_shared>> -> memref<10240x128xf32, #tpu.memory_space<vmem_shared>>
        tpu.enqueue_indirect_dma source(%arg12 : memref<80x128xf32, #tpu.memory_space<vmem>>) target(%dma_start3A_83 : memref<10240x128xf32, #tpu.memory_space<vmem_shared>>) offsets(%arg10 : memref<80xi32, #tpu.memory_space<vmem>>) semaphore(%run_scoped3A : memref<!tpu.dma_semaphore, #tpu.memory_space<semaphore_mem>>) {add = true}
        %dma_wait3A_84 = arith.constant 0 : i32
        %dma_wait3A_85 = arith.constant 0 : i32
        %dma_wait3A_86 = tpu.memref_slice %arg16[%dma_wait3A_84, %dma_wait3A_85] : memref<10240x128xf32, #tpu.memory_space<vmem_shared>> -> memref<10240x128xf32, #tpu.memory_space<vmem_shared>>
        tpu.wait_indirect_dma semaphore(%run_scoped3A : memref<!tpu.dma_semaphore, #tpu.memory_space<semaphore_mem>>) src(%arg12 : memref<80x128xf32, #tpu.memory_space<vmem>>) dst(%dma_wait3A_86 : memref<10240x128xf32, #tpu.memory_space<vmem_shared>>)
        tpu.yield
      }) : () -> ()
      %add3A_55 = arith.constant 2 : i32
      %add3A_56 = arith.addi %add3A_44, %add3A_55 : i32
      %lt3A = arith.constant 130 : i32
      %lt3A_57 = arith.cmpi slt, %add3A_56, %lt3A : i32
      %convert_element_type3A = arith.extui %lt3A_57 : i1 to i32
      %cond3A = arith.constant 0 : i32
      %cond3A_58 = arith.cmpi ne, %convert_element_type3A, %cond3A : i32
      scf.if %cond3A_58 {
        %mul3A_81 = arith.constant 130 : i32
        %mul3A_82 = arith.muli %add3A, %mul3A_81 : i32
        %add3A_83 = arith.addi %mul3A_82, %add3A_44 : i32
        %add3A_84 = arith.constant 2 : i32
        %add3A_85 = arith.addi %add3A_83, %add3A_84 : i32
        %dma_start3A_86 = arith.constant 0 : i32
        %dma_start3A_87 = tpu.memref_slice %arg4[%add3A_85, %dma_start3A_86] : memref<4160x80xi32, #tpu.memory_space<hbm>> -> memref<1x80xi32, #tpu.memory_space<hbm>>
        %dma_start3A_88 = tpu.memref_squeeze %dma_start3A_87 : memref<1x80xi32, #tpu.memory_space<hbm>> -> memref<80xi32, #tpu.memory_space<hbm>>
        %dma_start3A_89 = arith.constant 0 : i32
        %dma_start3A_90 = tpu.memref_slice %arg4[%add3A_85, %dma_start3A_89] : memref<4160x80xi32, #tpu.memory_space<hbm>> -> memref<1x80xi32, #tpu.memory_space<hbm>>
        %dma_start3A_91 = tpu.memref_squeeze %dma_start3A_90 : memref<1x80xi32, #tpu.memory_space<hbm>> -> memref<80xi32, #tpu.memory_space<hbm>>
        tpu.enqueue_dma source(%dma_start3A_91 : memref<80xi32, #tpu.memory_space<hbm>>) target(%arg8 : memref<80xi32, #tpu.memory_space<vmem>>) target_semaphore(%arg21 : memref<!tpu.dma_semaphore, #tpu.memory_space<semaphore_mem>>)
        %dma_start3A_92 = arith.constant 0 : i32
        %dma_start3A_93 = tpu.memref_slice %arg5[%add3A_85, %dma_start3A_92] : memref<4160x80xi32, #tpu.memory_space<hbm>> -> memref<1x80xi32, #tpu.memory_space<hbm>>
        %dma_start3A_94 = tpu.memref_squeeze %dma_start3A_93 : memref<1x80xi32, #tpu.memory_space<hbm>> -> memref<80xi32, #tpu.memory_space<hbm>>
        %dma_start3A_95 = arith.constant 0 : i32
        %dma_start3A_96 = tpu.memref_slice %arg5[%add3A_85, %dma_start3A_95] : memref<4160x80xi32, #tpu.memory_space<hbm>> -> memref<1x80xi32, #tpu.memory_space<hbm>>
        %dma_start3A_97 = tpu.memref_squeeze %dma_start3A_96 : memref<1x80xi32, #tpu.memory_space<hbm>> -> memref<80xi32, #tpu.memory_space<hbm>>
        tpu.enqueue_dma source(%dma_start3A_97 : memref<80xi32, #tpu.memory_space<hbm>>) target(%arg10 : memref<80xi32, #tpu.memory_space<vmem>>) target_semaphore(%arg21 : memref<!tpu.dma_semaphore, #tpu.memory_space<semaphore_mem>>)
        %dma_wait3A_98 = arith.constant 0 : i32
        %dma_wait3A_99 = tpu.memref_slice %arg4[%add3A_85, %dma_wait3A_98] : memref<4160x80xi32, #tpu.memory_space<hbm>> -> memref<1x80xi32, #tpu.memory_space<hbm>>
        %dma_wait3A_100 = tpu.memref_squeeze %dma_wait3A_99 : memref<1x80xi32, #tpu.memory_space<hbm>> -> memref<80xi32, #tpu.memory_space<hbm>>
        %dma_wait3A_101 = arith.constant 0 : i32
        %dma_wait3A_102 = tpu.memref_slice %arg4[%add3A_85, %dma_wait3A_101] : memref<4160x80xi32, #tpu.memory_space<hbm>> -> memref<1x80xi32, #tpu.memory_space<hbm>>
        %dma_wait3A_103 = tpu.memref_squeeze %dma_wait3A_102 : memref<1x80xi32, #tpu.memory_space<hbm>> -> memref<80xi32, #tpu.memory_space<hbm>>
        tpu.wait_dma2 semaphore(%arg21 : memref<!tpu.dma_semaphore, #tpu.memory_space<semaphore_mem>>) src(%dma_wait3A_103 : memref<80xi32, #tpu.memory_space<hbm>>) dst(%arg8 : memref<80xi32, #tpu.memory_space<vmem>>)
        %dma_wait3A_104 = arith.constant 0 : i32
        %dma_wait3A_105 = tpu.memref_slice %arg5[%add3A_85, %dma_wait3A_104] : memref<4160x80xi32, #tpu.memory_space<hbm>> -> memref<1x80xi32, #tpu.memory_space<hbm>>
        %dma_wait3A_106 = tpu.memref_squeeze %dma_wait3A_105 : memref<1x80xi32, #tpu.memory_space<hbm>> -> memref<80xi32, #tpu.memory_space<hbm>>
        %dma_wait3A_107 = arith.constant 0 : i32
        %dma_wait3A_108 = tpu.memref_slice %arg5[%add3A_85, %dma_wait3A_107] : memref<4160x80xi32, #tpu.memory_space<hbm>> -> memref<1x80xi32, #tpu.memory_space<hbm>>
        %dma_wait3A_109 = tpu.memref_squeeze %dma_wait3A_108 : memref<1x80xi32, #tpu.memory_space<hbm>> -> memref<80xi32, #tpu.memory_space<hbm>>
        tpu.wait_dma2 semaphore(%arg21 : memref<!tpu.dma_semaphore, #tpu.memory_space<semaphore_mem>>) src(%dma_wait3A_109 : memref<80xi32, #tpu.memory_space<hbm>>) dst(%arg10 : memref<80xi32, #tpu.memory_space<vmem>>)
        %dma_start3A_110 = arith.constant 0 : i32
        %dma_start3A_111 = arith.constant 0 : i32
        %dma_start3A_112 = tpu.memref_slice %arg2[%dma_start3A_110, %dma_start3A_111] : memref<10240x128xf32, #tpu.memory_space<hbm>> -> memref<10240x128xf32, #tpu.memory_space<hbm>>
        tpu.enqueue_indirect_dma source(%dma_start3A_112 : memref<10240x128xf32, #tpu.memory_space<hbm>>) target(%arg12 : memref<80x128xf32, #tpu.memory_space<vmem>>) offsets(%arg8 : memref<80xi32, #tpu.memory_space<vmem>>) semaphore(%arg17 : memref<!tpu.dma_semaphore, #tpu.memory_space<semaphore_mem>>)
        %dma_start3A_113 = arith.constant 0 : i32
        %dma_start3A_114 = arith.constant 0 : i32
        %dma_start3A_115 = tpu.memref_slice %arg3[%dma_start3A_113, %dma_start3A_114] : memref<10240x128xf32, #tpu.memory_space<hbm>> -> memref<10240x128xf32, #tpu.memory_space<hbm>>
        tpu.enqueue_indirect_dma source(%dma_start3A_115 : memref<10240x128xf32, #tpu.memory_space<hbm>>) target(%arg14 : memref<80x128xf32, #tpu.memory_space<vmem>>) offsets(%arg10 : memref<80xi32, #tpu.memory_space<vmem>>) semaphore(%arg18 : memref<!tpu.dma_semaphore, #tpu.memory_space<semaphore_mem>>)
      } else {
      }
      %mul3A_59 = arith.constant 2 : i32
      %mul3A_60 = arith.muli %mul3A_59, %add3A_40 : i32
      %add3A_61 = arith.constant 1 : i32
      %add3A_62 = arith.addi %mul3A_60, %add3A_61 : i32
      %dma_wait3A_63 = arith.constant 0 : i32
      %dma_wait3A_64 = arith.constant 0 : i32
      %dma_wait3A_65 = tpu.memref_slice %arg2[%dma_wait3A_63, %dma_wait3A_64] : memref<10240x128xf32, #tpu.memory_space<hbm>> -> memref<10240x128xf32, #tpu.memory_space<hbm>>
      tpu.wait_indirect_dma semaphore(%arg19 : memref<!tpu.dma_semaphore, #tpu.memory_space<semaphore_mem>>) src(%dma_wait3A_65 : memref<10240x128xf32, #tpu.memory_space<hbm>>) dst(%arg13 : memref<80x128xf32, #tpu.memory_space<vmem>>)
      %dma_wait3A_66 = arith.constant 0 : i32
      %dma_wait3A_67 = arith.constant 0 : i32
      %dma_wait3A_68 = tpu.memref_slice %arg3[%dma_wait3A_66, %dma_wait3A_67] : memref<10240x128xf32, #tpu.memory_space<hbm>> -> memref<10240x128xf32, #tpu.memory_space<hbm>>
      tpu.wait_indirect_dma semaphore(%arg20 : memref<!tpu.dma_semaphore, #tpu.memory_space<semaphore_mem>>) src(%dma_wait3A_68 : memref<10240x128xf32, #tpu.memory_space<hbm>>) dst(%arg15 : memref<80x128xf32, #tpu.memory_space<vmem>>)
      %scan3A_69 = arith.constant 0 : i32
      %scan3A_70 = arith.constant 80 : i32
      %scan3A_71 = arith.addi %scan3A_69, %scan3A_70 : i32
      %scan3A_72 = arith.constant 1 : i32
      scf.for %scan3A_81 = %scan3A_69 to %scan3A_71 step %scan3A_72  : i32 {
        %mul3A_82 = arith.constant 1 : i32
        %mul3A_83 = arith.muli %scan3A_81, %mul3A_82 : i32
        %add3A_84 = arith.constant 0 : i32
        %add3A_85 = arith.addi %add3A_84, %mul3A_83 : i32
        %get3A = arith.index_cast %add3A_85 : i32 to index
        %get3A_86 = arith.constant 64 : index
        %get3A_87 = tpu.vector_load %arg13[%get3A, %get3A_86] {strides = array<i32>} : memref<80x128xf32, #tpu.memory_space<vmem>>, vector<1x16xf32>,
        %get3A_88 = vector.shape_cast %get3A_87 : vector<1x16xf32> to vector<16xf32>
        %get3A_89 = arith.index_cast %add3A_85 : i32 to index
        %get3A_90 = arith.constant 0 : index
        %get3A_91 = tpu.vector_load %arg15[%get3A_89, %get3A_90] {strides = array<i32>} : memref<80x128xf32, #tpu.memory_space<vmem>>, vector<1x16xf32>,
        %get3A_92 = vector.shape_cast %get3A_91 : vector<1x16xf32> to vector<16xf32>
        %add3A_93 = arith.addf %get3A_88, %get3A_92 : vector<16xf32>
        %mul3A_94 = arith.constant 2.000000e-01 : f32
        %mul3A_95 = vector.broadcast %mul3A_94 : f32 to vector<16xf32>
        %mul3A_96 = arith.mulf %mul3A_95, %add3A_93 : vector<16xf32>
        %max3A = arith.maximumf %add3A_93, %mul3A_96 : vector<16xf32>
        %exp3A = math.exp %max3A : vector<16xf32>
        %get3A_97 = arith.index_cast %add3A_85 : i32 to index
        %get3A_98 = arith.constant 0 : index
        %get3A_99 = tpu.vector_load %arg13[%get3A_97, %get3A_98] {strides = array<i32>} : memref<80x128xf32, #tpu.memory_space<vmem>>, vector<1x16xf32>,
        %get3A_100 = vector.shape_cast %get3A_99 : vector<1x16xf32> to vector<16xf32>
        %mul3A_101 = arith.mulf %get3A_100, %exp3A : vector<16xf32>
        %swap3A = arith.index_cast %add3A_85 : i32 to index
        %swap3A_102 = arith.constant 0 : index
        %swap3A_103 = tpu.vector_load %arg13[%swap3A, %swap3A_102] {strides = array<i32>} : memref<80x128xf32, #tpu.memory_space<vmem>>, vector<1x16xf32>,
        %swap3A_104 = vector.shape_cast %swap3A_103 : vector<1x16xf32> to vector<16xf32>
        %swap3A_105 = vector.shape_cast %mul3A_101 : vector<16xf32> to vector<1x16xf32>
        tpu.vector_store %arg13[%swap3A, %swap3A_102], %swap3A_105 {strides = array<i32>} : memref<80x128xf32, #tpu.memory_space<vmem>>, vector<1x16xf32>,
        %swap3A_106 = arith.index_cast %add3A_85 : i32 to index
        %swap3A_107 = arith.constant 64 : index
        %swap3A_108 = tpu.vector_load %arg13[%swap3A_106, %swap3A_107] {strides = array<i32>} : memref<80x128xf32, #tpu.memory_space<vmem>>, vector<1x16xf32>,
        %swap3A_109 = vector.shape_cast %swap3A_108 : vector<1x16xf32> to vector<16xf32>
        %swap3A_110 = vector.shape_cast %exp3A : vector<16xf32> to vector<1x16xf32>
        tpu.vector_store %arg13[%swap3A_106, %swap3A_107], %swap3A_110 {strides = array<i32>} : memref<80x128xf32, #tpu.memory_space<vmem>>, vector<1x16xf32>,
        %get3A_111 = arith.index_cast %add3A_85 : i32 to index
        %get3A_112 = arith.constant 80 : index
        %get3A_113 = tpu.vector_load %arg13[%get3A_111, %get3A_112] {strides = array<i32>} : memref<80x128xf32, #tpu.memory_space<vmem>>, vector<1x16xf32>,
        %get3A_114 = vector.shape_cast %get3A_113 : vector<1x16xf32> to vector<16xf32>
        %get3A_115 = arith.index_cast %add3A_85 : i32 to index
        %get3A_116 = arith.constant 16 : index
        %get3A_117 = tpu.vector_load %arg15[%get3A_115, %get3A_116] {strides = array<i32>} : memref<80x128xf32, #tpu.memory_space<vmem>>, vector<1x16xf32>,
        %get3A_118 = vector.shape_cast %get3A_117 : vector<1x16xf32> to vector<16xf32>
        %add3A_119 = arith.addf %get3A_114, %get3A_118 : vector<16xf32>
        %mul3A_120 = arith.constant 2.000000e-01 : f32
        %mul3A_121 = vector.broadcast %mul3A_120 : f32 to vector<16xf32>
        %mul3A_122 = arith.mulf %mul3A_121, %add3A_119 : vector<16xf32>
        %max3A_123 = arith.maximumf %add3A_119, %mul3A_122 : vector<16xf32>
        %exp3A_124 = math.exp %max3A_123 : vector<16xf32>
        %get3A_125 = arith.index_cast %add3A_85 : i32 to index
        %get3A_126 = arith.constant 16 : index
        %get3A_127 = tpu.vector_load %arg13[%get3A_125, %get3A_126] {strides = array<i32>} : memref<80x128xf32, #tpu.memory_space<vmem>>, vector<1x16xf32>,
        %get3A_128 = vector.shape_cast %get3A_127 : vector<1x16xf32> to vector<16xf32>
        %mul3A_129 = arith.mulf %get3A_128, %exp3A_124 : vector<16xf32>
        %swap3A_130 = arith.index_cast %add3A_85 : i32 to index
        %swap3A_131 = arith.constant 16 : index
        %swap3A_132 = tpu.vector_load %arg13[%swap3A_130, %swap3A_131] {strides = array<i32>} : memref<80x128xf32, #tpu.memory_space<vmem>>, vector<1x16xf32>,
        %swap3A_133 = vector.shape_cast %swap3A_132 : vector<1x16xf32> to vector<16xf32>
        %swap3A_134 = vector.shape_cast %mul3A_129 : vector<16xf32> to vector<1x16xf32>
        tpu.vector_store %arg13[%swap3A_130, %swap3A_131], %swap3A_134 {strides = array<i32>} : memref<80x128xf32, #tpu.memory_space<vmem>>, vector<1x16xf32>,
        %swap3A_135 = arith.index_cast %add3A_85 : i32 to index
        %swap3A_136 = arith.constant 80 : index
        %swap3A_137 = tpu.vector_load %arg13[%swap3A_135, %swap3A_136] {strides = array<i32>} : memref<80x128xf32, #tpu.memory_space<vmem>>, vector<1x16xf32>,
        %swap3A_138 = vector.shape_cast %swap3A_137 : vector<1x16xf32> to vector<16xf32>
        %swap3A_139 = vector.shape_cast %exp3A_124 : vector<16xf32> to vector<1x16xf32>
        tpu.vector_store %arg13[%swap3A_135, %swap3A_136], %swap3A_139 {strides = array<i32>} : memref<80x128xf32, #tpu.memory_space<vmem>>, vector<1x16xf32>,
        %get3A_140 = arith.index_cast %add3A_85 : i32 to index
        %get3A_141 = arith.constant 96 : index
        %get3A_142 = tpu.vector_load %arg13[%get3A_140, %get3A_141] {strides = array<i32>} : memref<80x128xf32, #tpu.memory_space<vmem>>, vector<1x16xf32>,
        %get3A_143 = vector.shape_cast %get3A_142 : vector<1x16xf32> to vector<16xf32>
        %get3A_144 = arith.index_cast %add3A_85 : i32 to index
        %get3A_145 = arith.constant 32 : index
        %get3A_146 = tpu.vector_load %arg15[%get3A_144, %get3A_145] {strides = array<i32>} : memref<80x128xf32, #tpu.memory_space<vmem>>, vector<1x16xf32>,
        %get3A_147 = vector.shape_cast %get3A_146 : vector<1x16xf32> to vector<16xf32>
        %add3A_148 = arith.addf %get3A_143, %get3A_147 : vector<16xf32>
        %mul3A_149 = arith.constant 2.000000e-01 : f32
        %mul3A_150 = vector.broadcast %mul3A_149 : f32 to vector<16xf32>
        %mul3A_151 = arith.mulf %mul3A_150, %add3A_148 : vector<16xf32>
        %max3A_152 = arith.maximumf %add3A_148, %mul3A_151 : vector<16xf32>
        %exp3A_153 = math.exp %max3A_152 : vector<16xf32>
        %get3A_154 = arith.index_cast %add3A_85 : i32 to index
        %get3A_155 = arith.constant 32 : index
        %get3A_156 = tpu.vector_load %arg13[%get3A_154, %get3A_155] {strides = array<i32>} : memref<80x128xf32, #tpu.memory_space<vmem>>, vector<1x16xf32>,
        %get3A_157 = vector.shape_cast %get3A_156 : vector<1x16xf32> to vector<16xf32>
        %mul3A_158 = arith.mulf %get3A_157, %exp3A_153 : vector<16xf32>
        %swap3A_159 = arith.index_cast %add3A_85 : i32 to index
        %swap3A_160 = arith.constant 32 : index
        %swap3A_161 = tpu.vector_load %arg13[%swap3A_159, %swap3A_160] {strides = array<i32>} : memref<80x128xf32, #tpu.memory_space<vmem>>, vector<1x16xf32>,
        %swap3A_162 = vector.shape_cast %swap3A_161 : vector<1x16xf32> to vector<16xf32>
        %swap3A_163 = vector.shape_cast %mul3A_158 : vector<16xf32> to vector<1x16xf32>
        tpu.vector_store %arg13[%swap3A_159, %swap3A_160], %swap3A_163 {strides = array<i32>} : memref<80x128xf32, #tpu.memory_space<vmem>>, vector<1x16xf32>,
        %swap3A_164 = arith.index_cast %add3A_85 : i32 to index
        %swap3A_165 = arith.constant 96 : index
        %swap3A_166 = tpu.vector_load %arg13[%swap3A_164, %swap3A_165] {strides = array<i32>} : memref<80x128xf32, #tpu.memory_space<vmem>>, vector<1x16xf32>,
        %swap3A_167 = vector.shape_cast %swap3A_166 : vector<1x16xf32> to vector<16xf32>
        %swap3A_168 = vector.shape_cast %exp3A_153 : vector<16xf32> to vector<1x16xf32>
        tpu.vector_store %arg13[%swap3A_164, %swap3A_165], %swap3A_168 {strides = array<i32>} : memref<80x128xf32, #tpu.memory_space<vmem>>, vector<1x16xf32>,
        %get3A_169 = arith.index_cast %add3A_85 : i32 to index
        %get3A_170 = arith.constant 112 : index
        %get3A_171 = tpu.vector_load %arg13[%get3A_169, %get3A_170] {strides = array<i32>} : memref<80x128xf32, #tpu.memory_space<vmem>>, vector<1x16xf32>,
        %get3A_172 = vector.shape_cast %get3A_171 : vector<1x16xf32> to vector<16xf32>
        %get3A_173 = arith.index_cast %add3A_85 : i32 to index
        %get3A_174 = arith.constant 48 : index
        %get3A_175 = tpu.vector_load %arg15[%get3A_173, %get3A_174] {strides = array<i32>} : memref<80x128xf32, #tpu.memory_space<vmem>>, vector<1x16xf32>,
        %get3A_176 = vector.shape_cast %get3A_175 : vector<1x16xf32> to vector<16xf32>
        %add3A_177 = arith.addf %get3A_172, %get3A_176 : vector<16xf32>
        %mul3A_178 = arith.constant 2.000000e-01 : f32
        %mul3A_179 = vector.broadcast %mul3A_178 : f32 to vector<16xf32>
        %mul3A_180 = arith.mulf %mul3A_179, %add3A_177 : vector<16xf32>
        %max3A_181 = arith.maximumf %add3A_177, %mul3A_180 : vector<16xf32>
        %exp3A_182 = math.exp %max3A_181 : vector<16xf32>
        %get3A_183 = arith.index_cast %add3A_85 : i32 to index
        %get3A_184 = arith.constant 48 : index
        %get3A_185 = tpu.vector_load %arg13[%get3A_183, %get3A_184] {strides = array<i32>} : memref<80x128xf32, #tpu.memory_space<vmem>>, vector<1x16xf32>,
        %get3A_186 = vector.shape_cast %get3A_185 : vector<1x16xf32> to vector<16xf32>
        %mul3A_187 = arith.mulf %get3A_186, %exp3A_182 : vector<16xf32>
        %swap3A_188 = arith.index_cast %add3A_85 : i32 to index
        %swap3A_189 = arith.constant 48 : index
        %swap3A_190 = tpu.vector_load %arg13[%swap3A_188, %swap3A_189] {strides = array<i32>} : memref<80x128xf32, #tpu.memory_space<vmem>>, vector<1x16xf32>,
        %swap3A_191 = vector.shape_cast %swap3A_190 : vector<1x16xf32> to vector<16xf32>
        %swap3A_192 = vector.shape_cast %mul3A_187 : vector<16xf32> to vector<1x16xf32>
        tpu.vector_store %arg13[%swap3A_188, %swap3A_189], %swap3A_192 {strides = array<i32>} : memref<80x128xf32, #tpu.memory_space<vmem>>, vector<1x16xf32>,
        %swap3A_193 = arith.index_cast %add3A_85 : i32 to index
        %swap3A_194 = arith.constant 112 : index
        %swap3A_195 = tpu.vector_load %arg13[%swap3A_193, %swap3A_194] {strides = array<i32>} : memref<80x128xf32, #tpu.memory_space<vmem>>, vector<1x16xf32>,
        %swap3A_196 = vector.shape_cast %swap3A_195 : vector<1x16xf32> to vector<16xf32>
        %swap3A_197 = vector.shape_cast %exp3A_182 : vector<16xf32> to vector<1x16xf32>
        tpu.vector_store %arg13[%swap3A_193, %swap3A_194], %swap3A_197 {strides = array<i32>} : memref<80x128xf32, #tpu.memory_space<vmem>>, vector<1x16xf32>,
      }
      %scan3A_73 = arith.constant 80 : i32
      "tpu.region"() ({
        %run_scoped3A = tpu.sem_alloc : memref<!tpu.dma_semaphore, #tpu.memory_space<semaphore_mem>>
        %dma_start3A_81 = arith.constant 0 : i32
        %dma_start3A_82 = arith.constant 0 : i32
        %dma_start3A_83 = tpu.memref_slice %arg16[%dma_start3A_81, %dma_start3A_82] : memref<10240x128xf32, #tpu.memory_space<vmem_shared>> -> memref<10240x128xf32, #tpu.memory_space<vmem_shared>>
        tpu.enqueue_indirect_dma source(%arg13 : memref<80x128xf32, #tpu.memory_space<vmem>>) target(%dma_start3A_83 : memref<10240x128xf32, #tpu.memory_space<vmem_shared>>) offsets(%arg11 : memref<80xi32, #tpu.memory_space<vmem>>) semaphore(%run_scoped3A : memref<!tpu.dma_semaphore, #tpu.memory_space<semaphore_mem>>) {add = true}
        %dma_wait3A_84 = arith.constant 0 : i32
        %dma_wait3A_85 = arith.constant 0 : i32
        %dma_wait3A_86 = tpu.memref_slice %arg16[%dma_wait3A_84, %dma_wait3A_85] : memref<10240x128xf32, #tpu.memory_space<vmem_shared>> -> memref<10240x128xf32, #tpu.memory_space<vmem_shared>>
        tpu.wait_indirect_dma semaphore(%run_scoped3A : memref<!tpu.dma_semaphore, #tpu.memory_space<semaphore_mem>>) src(%arg13 : memref<80x128xf32, #tpu.memory_space<vmem>>) dst(%dma_wait3A_86 : memref<10240x128xf32, #tpu.memory_space<vmem_shared>>)
        tpu.yield
      }) : () -> ()
      %add3A_74 = arith.constant 2 : i32
      %add3A_75 = arith.addi %add3A_62, %add3A_74 : i32
      %lt3A_76 = arith.constant 130 : i32
      %lt3A_77 = arith.cmpi slt, %add3A_75, %lt3A_76 : i32
      %convert_element_type3A_78 = arith.extui %lt3A_77 : i1 to i32
      %cond3A_79 = arith.constant 0 : i32
      %cond3A_80 = arith.cmpi ne, %convert_element_type3A_78, %cond3A_79 : i32
      scf.if %cond3A_80 {
        %mul3A_81 = arith.constant 130 : i32
        %mul3A_82 = arith.muli %add3A, %mul3A_81 : i32
        %add3A_83 = arith.addi %mul3A_82, %add3A_62 : i32
        %add3A_84 = arith.constant 2 : i32
        %add3A_85 = arith.addi %add3A_83, %add3A_84 : i32
        %dma_start3A_86 = arith.constant 0 : i32
        %dma_start3A_87 = tpu.memref_slice %arg4[%add3A_85, %dma_start3A_86] : memref<4160x80xi32, #tpu.memory_space<hbm>> -> memref<1x80xi32, #tpu.memory_space<hbm>>
        %dma_start3A_88 = tpu.memref_squeeze %dma_start3A_87 : memref<1x80xi32, #tpu.memory_space<hbm>> -> memref<80xi32, #tpu.memory_space<hbm>>
        %dma_start3A_89 = arith.constant 0 : i32
        %dma_start3A_90 = tpu.memref_slice %arg4[%add3A_85, %dma_start3A_89] : memref<4160x80xi32, #tpu.memory_space<hbm>> -> memref<1x80xi32, #tpu.memory_space<hbm>>
        %dma_start3A_91 = tpu.memref_squeeze %dma_start3A_90 : memref<1x80xi32, #tpu.memory_space<hbm>> -> memref<80xi32, #tpu.memory_space<hbm>>
        tpu.enqueue_dma source(%dma_start3A_91 : memref<80xi32, #tpu.memory_space<hbm>>) target(%arg9 : memref<80xi32, #tpu.memory_space<vmem>>) target_semaphore(%arg22 : memref<!tpu.dma_semaphore, #tpu.memory_space<semaphore_mem>>)
        %dma_start3A_92 = arith.constant 0 : i32
        %dma_start3A_93 = tpu.memref_slice %arg5[%add3A_85, %dma_start3A_92] : memref<4160x80xi32, #tpu.memory_space<hbm>> -> memref<1x80xi32, #tpu.memory_space<hbm>>
        %dma_start3A_94 = tpu.memref_squeeze %dma_start3A_93 : memref<1x80xi32, #tpu.memory_space<hbm>> -> memref<80xi32, #tpu.memory_space<hbm>>
        %dma_start3A_95 = arith.constant 0 : i32
        %dma_start3A_96 = tpu.memref_slice %arg5[%add3A_85, %dma_start3A_95] : memref<4160x80xi32, #tpu.memory_space<hbm>> -> memref<1x80xi32, #tpu.memory_space<hbm>>
        %dma_start3A_97 = tpu.memref_squeeze %dma_start3A_96 : memref<1x80xi32, #tpu.memory_space<hbm>> -> memref<80xi32, #tpu.memory_space<hbm>>
        tpu.enqueue_dma source(%dma_start3A_97 : memref<80xi32, #tpu.memory_space<hbm>>) target(%arg11 : memref<80xi32, #tpu.memory_space<vmem>>) target_semaphore(%arg22 : memref<!tpu.dma_semaphore, #tpu.memory_space<semaphore_mem>>)
        %dma_wait3A_98 = arith.constant 0 : i32
        %dma_wait3A_99 = tpu.memref_slice %arg4[%add3A_85, %dma_wait3A_98] : memref<4160x80xi32, #tpu.memory_space<hbm>> -> memref<1x80xi32, #tpu.memory_space<hbm>>
        %dma_wait3A_100 = tpu.memref_squeeze %dma_wait3A_99 : memref<1x80xi32, #tpu.memory_space<hbm>> -> memref<80xi32, #tpu.memory_space<hbm>>
        %dma_wait3A_101 = arith.constant 0 : i32
        %dma_wait3A_102 = tpu.memref_slice %arg4[%add3A_85, %dma_wait3A_101] : memref<4160x80xi32, #tpu.memory_space<hbm>> -> memref<1x80xi32, #tpu.memory_space<hbm>>
        %dma_wait3A_103 = tpu.memref_squeeze %dma_wait3A_102 : memref<1x80xi32, #tpu.memory_space<hbm>> -> memref<80xi32, #tpu.memory_space<hbm>>
        tpu.wait_dma2 semaphore(%arg22 : memref<!tpu.dma_semaphore, #tpu.memory_space<semaphore_mem>>) src(%dma_wait3A_103 : memref<80xi32, #tpu.memory_space<hbm>>) dst(%arg9 : memref<80xi32, #tpu.memory_space<vmem>>)
        %dma_wait3A_104 = arith.constant 0 : i32
        %dma_wait3A_105 = tpu.memref_slice %arg5[%add3A_85, %dma_wait3A_104] : memref<4160x80xi32, #tpu.memory_space<hbm>> -> memref<1x80xi32, #tpu.memory_space<hbm>>
        %dma_wait3A_106 = tpu.memref_squeeze %dma_wait3A_105 : memref<1x80xi32, #tpu.memory_space<hbm>> -> memref<80xi32, #tpu.memory_space<hbm>>
        %dma_wait3A_107 = arith.constant 0 : i32
        %dma_wait3A_108 = tpu.memref_slice %arg5[%add3A_85, %dma_wait3A_107] : memref<4160x80xi32, #tpu.memory_space<hbm>> -> memref<1x80xi32, #tpu.memory_space<hbm>>
        %dma_wait3A_109 = tpu.memref_squeeze %dma_wait3A_108 : memref<1x80xi32, #tpu.memory_space<hbm>> -> memref<80xi32, #tpu.memory_space<hbm>>
        tpu.wait_dma2 semaphore(%arg22 : memref<!tpu.dma_semaphore, #tpu.memory_space<semaphore_mem>>) src(%dma_wait3A_109 : memref<80xi32, #tpu.memory_space<hbm>>) dst(%arg11 : memref<80xi32, #tpu.memory_space<vmem>>)
        %dma_start3A_110 = arith.constant 0 : i32
        %dma_start3A_111 = arith.constant 0 : i32
        %dma_start3A_112 = tpu.memref_slice %arg2[%dma_start3A_110, %dma_start3A_111] : memref<10240x128xf32, #tpu.memory_space<hbm>> -> memref<10240x128xf32, #tpu.memory_space<hbm>>
        tpu.enqueue_indirect_dma source(%dma_start3A_112 : memref<10240x128xf32, #tpu.memory_space<hbm>>) target(%arg13 : memref<80x128xf32, #tpu.memory_space<vmem>>) offsets(%arg9 : memref<80xi32, #tpu.memory_space<vmem>>) semaphore(%arg19 : memref<!tpu.dma_semaphore, #tpu.memory_space<semaphore_mem>>)
        %dma_start3A_113 = arith.constant 0 : i32
        %dma_start3A_114 = arith.constant 0 : i32
        %dma_start3A_115 = tpu.memref_slice %arg3[%dma_start3A_113, %dma_start3A_114] : memref<10240x128xf32, #tpu.memory_space<hbm>> -> memref<10240x128xf32, #tpu.memory_space<hbm>>
        tpu.enqueue_indirect_dma source(%dma_start3A_115 : memref<10240x128xf32, #tpu.memory_space<hbm>>) target(%arg15 : memref<80x128xf32, #tpu.memory_space<vmem>>) offsets(%arg11 : memref<80xi32, #tpu.memory_space<vmem>>) semaphore(%arg20 : memref<!tpu.dma_semaphore, #tpu.memory_space<semaphore_mem>>)
      } else {
      }
    }
    %scan3A_27 = arith.constant 65 : i32
    %barrier3A_28 = arith.constant 0 : index
    tpu.barrier barrier_id(%barrier3A_28)
    %mul3A_29 = arith.constant 640 : i32
    %mul3A_30 = arith.muli %arg1, %mul3A_29 : i32
    %mul3A_31 = arith.constant 10240 : i32
    %mul3A_32 = arith.muli %arg0, %mul3A_31 : i32
    %mul3A_33 = arith.constant 640 : i32
    %mul3A_34 = arith.muli %arg1, %mul3A_33 : i32
    %add3A_35 = arith.addi %mul3A_32, %mul3A_34 : i32
    "tpu.region"() ({
      %run_scoped3A = tpu.sem_alloc : memref<!tpu.dma_semaphore, #tpu.memory_space<semaphore_mem>>
      %dma_start3A_36 = arith.constant 0 : i32
      %dma_start3A_37 = tpu.memref_slice %arg7[%add3A_35, %dma_start3A_36] : memref<20480x128xf32, #tpu.memory_space<hbm>> -> memref<640x128xf32, #tpu.memory_space<hbm>>
      %dma_start3A_38 = arith.constant 0 : i32
      %dma_start3A_39 = tpu.memref_slice %arg16[%mul3A_30, %dma_start3A_38] : memref<10240x128xf32, #tpu.memory_space<vmem_shared>> -> memref<640x128xf32, #tpu.memory_space<vmem_shared>>
      tpu.enqueue_dma source(%dma_start3A_39 : memref<640x128xf32, #tpu.memory_space<vmem_shared>>) target(%dma_start3A_37 : memref<640x128xf32, #tpu.memory_space<hbm>>) target_semaphore(%run_scoped3A : memref<!tpu.dma_semaphore, #tpu.memory_space<semaphore_mem>>)
      %dma_wait3A = arith.constant 0 : i32
      %dma_wait3A_40 = tpu.memref_slice %arg7[%add3A_35, %dma_wait3A] : memref<20480x128xf32, #tpu.memory_space<hbm>> -> memref<640x128xf32, #tpu.memory_space<hbm>>
      %dma_wait3A_41 = arith.constant 0 : i32
      %dma_wait3A_42 = tpu.memref_slice %arg16[%mul3A_30, %dma_wait3A_41] : memref<10240x128xf32, #tpu.memory_space<vmem_shared>> -> memref<640x128xf32, #tpu.memory_space<vmem_shared>>
      tpu.wait_dma2 semaphore(%run_scoped3A : memref<!tpu.dma_semaphore, #tpu.memory_space<semaphore_mem>>) src(%dma_wait3A_42 : memref<640x128xf32, #tpu.memory_space<vmem_shared>>) dst(%dma_wait3A_40 : memref<640x128xf32, #tpu.memory_space<hbm>>)
      tpu.yield
    }) : () -> ()
    return
  }
}

#map = affine_map<(d0, d1) -> (0, 0)>
module attributes {stable_mosaic.version = 14 : i64} {
  func.func @_sc_edge_pass(%arg0: i32, %arg1: i32, %arg2: memref<10240x128xf32, #tpu.memory_space<hbm>>, %arg3: memref<10240x128xf32, #tpu.memory_space<hbm>>, %arg4: memref<4160x80xi32, #tpu.memory_space<hbm>>, %arg5: memref<4160x80xi32, #tpu.memory_space<hbm>>, %arg6: memref<640x128xf32, #tpu.memory_space<hbm>>, %arg7: memref<20480x128xf32, #tpu.memory_space<hbm>>, %arg8: memref<80xi32, #tpu.memory_space<vmem>>, %arg9: memref<80xi32, #tpu.memory_space<vmem>>, %arg10: memref<80xi32, #tpu.memory_space<vmem>>, %arg11: memref<80xi32, #tpu.memory_space<vmem>>, %arg12: memref<80x128xf32, #tpu.memory_space<vmem>>, %arg13: memref<80x128xf32, #tpu.memory_space<vmem>>, %arg14: memref<80x128xf32, #tpu.memory_space<vmem>>, %arg15: memref<80x128xf32, #tpu.memory_space<vmem>>, %arg16: memref<10240x128xf32, #tpu.memory_space<vmem_shared>>, %arg17: memref<!tpu.dma_semaphore, #tpu.memory_space<semaphore_mem>>, %arg18: memref<!tpu.dma_semaphore, #tpu.memory_space<semaphore_mem>>, %arg19: memref<!tpu.dma_semaphore, #tpu.memory_space<semaphore_mem>>, %arg20: memref<!tpu.dma_semaphore, #tpu.memory_space<semaphore_mem>>, %arg21: memref<!tpu.dma_semaphore, #tpu.memory_space<semaphore_mem>>, %arg22: memref<!tpu.dma_semaphore, #tpu.memory_space<semaphore_mem>>) attributes {dimension_semantics = [#tpu.dimension_semantics<core_parallel>, #tpu.dimension_semantics<subcore_parallel>], iteration_bounds = array<i64: 2, 16>, scalar_prefetch = 0 : i64, scratch_operands = 15 : i64, tpu.core_type = #tpu.core_type<sc_vector_subcore>, window_params = [{transform_indices = #map}, {transform_indices = #map}, {transform_indices = #map}, {transform_indices = #map}, {transform_indices = #map}, {transform_indices = #map}]} {
    %mul3A = arith.constant 2 : i32
    %mul3A_0 = arith.muli %arg1, %mul3A : i32
    %add3A = arith.addi %mul3A_0, %arg0 : i32
    %mul3A_1 = arith.constant 640 : i32
    %mul3A_2 = arith.muli %arg1, %mul3A_1 : i32
    "tpu.region"() ({
      %run_scoped3A = tpu.sem_alloc : memref<!tpu.dma_semaphore, #tpu.memory_space<semaphore_mem>>
      %dma_start3A_36 = arith.constant 0 : i32
      %dma_start3A_37 = tpu.memref_slice %arg16[%mul3A_2, %dma_start3A_36] : memref<10240x128xf32, #tpu.memory_space<vmem_shared>> -> memref<640x128xf32, #tpu.memory_space<vmem_shared>>
      tpu.enqueue_dma source(%arg6 : memref<640x128xf32, #tpu.memory_space<hbm>>) target(%dma_start3A_37 : memref<640x128xf32, #tpu.memory_space<vmem_shared>>) target_semaphore(%run_scoped3A : memref<!tpu.dma_semaphore, #tpu.memory_space<semaphore_mem>>)
      %dma_wait3A = arith.constant 0 : i32
      %dma_wait3A_38 = tpu.memref_slice %arg16[%mul3A_2, %dma_wait3A] : memref<10240x128xf32, #tpu.memory_space<vmem_shared>> -> memref<640x128xf32, #tpu.memory_space<vmem_shared>>
      tpu.wait_dma2 semaphore(%run_scoped3A : memref<!tpu.dma_semaphore, #tpu.memory_space<semaphore_mem>>) src(%arg6 : memref<640x128xf32, #tpu.memory_space<hbm>>) dst(%dma_wait3A_38 : memref<640x128xf32, #tpu.memory_space<vmem_shared>>)
      tpu.yield
    }) : () -> ()
    %mul3A_3 = arith.constant 130 : i32
    %mul3A_4 = arith.muli %add3A, %mul3A_3 : i32
    %add3A_5 = arith.constant 0 : i32
    %add3A_6 = arith.addi %mul3A_4, %add3A_5 : i32
    "tpu.region"() ({
      %run_scoped3A = tpu.sem_alloc : memref<!tpu.dma_semaphore, #tpu.memory_space<semaphore_mem>>
      %dma_start3A_36 = arith.constant 0 : i32
      %dma_start3A_37 = tpu.memref_slice %arg4[%add3A_6, %dma_start3A_36] : memref<4160x80xi32, #tpu.memory_space<hbm>> -> memref<1x80xi32, #tpu.memory_space<hbm>>
      %dma_start3A_38 = tpu.memref_squeeze %dma_start3A_37 : memref<1x80xi32, #tpu.memory_space<hbm>> -> memref<80xi32, #tpu.memory_space<hbm>>
      %dma_start3A_39 = arith.constant 0 : i32
      %dma_start3A_40 = tpu.memref_slice %arg4[%add3A_6, %dma_start3A_39] : memref<4160x80xi32, #tpu.memory_space<hbm>> -> memref<1x80xi32, #tpu.memory_space<hbm>>
      %dma_start3A_41 = tpu.memref_squeeze %dma_start3A_40 : memref<1x80xi32, #tpu.memory_space<hbm>> -> memref<80xi32, #tpu.memory_space<hbm>>
      tpu.enqueue_dma source(%dma_start3A_41 : memref<80xi32, #tpu.memory_space<hbm>>) target(%arg8 : memref<80xi32, #tpu.memory_space<vmem>>) target_semaphore(%run_scoped3A : memref<!tpu.dma_semaphore, #tpu.memory_space<semaphore_mem>>)
      %dma_wait3A = arith.constant 0 : i32
      %dma_wait3A_42 = tpu.memref_slice %arg4[%add3A_6, %dma_wait3A] : memref<4160x80xi32, #tpu.memory_space<hbm>> -> memref<1x80xi32, #tpu.memory_space<hbm>>
      %dma_wait3A_43 = tpu.memref_squeeze %dma_wait3A_42 : memref<1x80xi32, #tpu.memory_space<hbm>> -> memref<80xi32, #tpu.memory_space<hbm>>
      %dma_wait3A_44 = arith.constant 0 : i32
      %dma_wait3A_45 = tpu.memref_slice %arg4[%add3A_6, %dma_wait3A_44] : memref<4160x80xi32, #tpu.memory_space<hbm>> -> memref<1x80xi32, #tpu.memory_space<hbm>>
      %dma_wait3A_46 = tpu.memref_squeeze %dma_wait3A_45 : memref<1x80xi32, #tpu.memory_space<hbm>> -> memref<80xi32, #tpu.memory_space<hbm>>
      tpu.wait_dma2 semaphore(%run_scoped3A : memref<!tpu.dma_semaphore, #tpu.memory_space<semaphore_mem>>) src(%dma_wait3A_46 : memref<80xi32, #tpu.memory_space<hbm>>) dst(%arg8 : memref<80xi32, #tpu.memory_space<vmem>>)
      tpu.yield
    }) : () -> ()
    %add3A_7 = arith.constant 0 : i32
    %add3A_8 = arith.addi %mul3A_4, %add3A_7 : i32
    "tpu.region"() ({
      %run_scoped3A = tpu.sem_alloc : memref<!tpu.dma_semaphore, #tpu.memory_space<semaphore_mem>>
      %dma_start3A_36 = arith.constant 0 : i32
      %dma_start3A_37 = tpu.memref_slice %arg5[%add3A_8, %dma_start3A_36] : memref<4160x80xi32, #tpu.memory_space<hbm>> -> memref<1x80xi32, #tpu.memory_space<hbm>>
      %dma_start3A_38 = tpu.memref_squeeze %dma_start3A_37 : memref<1x80xi32, #tpu.memory_space<hbm>> -> memref<80xi32, #tpu.memory_space<hbm>>
      %dma_start3A_39 = arith.constant 0 : i32
      %dma_start3A_40 = tpu.memref_slice %arg5[%add3A_8, %dma_start3A_39] : memref<4160x80xi32, #tpu.memory_space<hbm>> -> memref<1x80xi32, #tpu.memory_space<hbm>>
      %dma_start3A_41 = tpu.memref_squeeze %dma_start3A_40 : memref<1x80xi32, #tpu.memory_space<hbm>> -> memref<80xi32, #tpu.memory_space<hbm>>
      tpu.enqueue_dma source(%dma_start3A_41 : memref<80xi32, #tpu.memory_space<hbm>>) target(%arg10 : memref<80xi32, #tpu.memory_space<vmem>>) target_semaphore(%run_scoped3A : memref<!tpu.dma_semaphore, #tpu.memory_space<semaphore_mem>>)
      %dma_wait3A = arith.constant 0 : i32
      %dma_wait3A_42 = tpu.memref_slice %arg5[%add3A_8, %dma_wait3A] : memref<4160x80xi32, #tpu.memory_space<hbm>> -> memref<1x80xi32, #tpu.memory_space<hbm>>
      %dma_wait3A_43 = tpu.memref_squeeze %dma_wait3A_42 : memref<1x80xi32, #tpu.memory_space<hbm>> -> memref<80xi32, #tpu.memory_space<hbm>>
      %dma_wait3A_44 = arith.constant 0 : i32
      %dma_wait3A_45 = tpu.memref_slice %arg5[%add3A_8, %dma_wait3A_44] : memref<4160x80xi32, #tpu.memory_space<hbm>> -> memref<1x80xi32, #tpu.memory_space<hbm>>
      %dma_wait3A_46 = tpu.memref_squeeze %dma_wait3A_45 : memref<1x80xi32, #tpu.memory_space<hbm>> -> memref<80xi32, #tpu.memory_space<hbm>>
      tpu.wait_dma2 semaphore(%run_scoped3A : memref<!tpu.dma_semaphore, #tpu.memory_space<semaphore_mem>>) src(%dma_wait3A_46 : memref<80xi32, #tpu.memory_space<hbm>>) dst(%arg10 : memref<80xi32, #tpu.memory_space<vmem>>)
      tpu.yield
    }) : () -> ()
    %dma_start3A = arith.constant 0 : i32
    %dma_start3A_9 = arith.constant 0 : i32
    %dma_start3A_10 = tpu.memref_slice %arg2[%dma_start3A, %dma_start3A_9] : memref<10240x128xf32, #tpu.memory_space<hbm>> -> memref<10240x128xf32, #tpu.memory_space<hbm>>
    tpu.enqueue_indirect_dma source(%dma_start3A_10 : memref<10240x128xf32, #tpu.memory_space<hbm>>) target(%arg12 : memref<80x128xf32, #tpu.memory_space<vmem>>) offsets(%arg8 : memref<80xi32, #tpu.memory_space<vmem>>) semaphore(%arg17 : memref<!tpu.dma_semaphore, #tpu.memory_space<semaphore_mem>>)
    %dma_start3A_11 = arith.constant 0 : i32
    %dma_start3A_12 = arith.constant 0 : i32
    %dma_start3A_13 = tpu.memref_slice %arg3[%dma_start3A_11, %dma_start3A_12] : memref<10240x128xf32, #tpu.memory_space<hbm>> -> memref<10240x128xf32, #tpu.memory_space<hbm>>
    tpu.enqueue_indirect_dma source(%dma_start3A_13 : memref<10240x128xf32, #tpu.memory_space<hbm>>) target(%arg14 : memref<80x128xf32, #tpu.memory_space<vmem>>) offsets(%arg10 : memref<80xi32, #tpu.memory_space<vmem>>) semaphore(%arg18 : memref<!tpu.dma_semaphore, #tpu.memory_space<semaphore_mem>>)
    %add3A_14 = arith.constant 1 : i32
    %add3A_15 = arith.addi %mul3A_4, %add3A_14 : i32
    "tpu.region"() ({
      %run_scoped3A = tpu.sem_alloc : memref<!tpu.dma_semaphore, #tpu.memory_space<semaphore_mem>>
      %dma_start3A_36 = arith.constant 0 : i32
      %dma_start3A_37 = tpu.memref_slice %arg4[%add3A_15, %dma_start3A_36] : memref<4160x80xi32, #tpu.memory_space<hbm>> -> memref<1x80xi32, #tpu.memory_space<hbm>>
      %dma_start3A_38 = tpu.memref_squeeze %dma_start3A_37 : memref<1x80xi32, #tpu.memory_space<hbm>> -> memref<80xi32, #tpu.memory_space<hbm>>
      %dma_start3A_39 = arith.constant 0 : i32
      %dma_start3A_40 = tpu.memref_slice %arg4[%add3A_15, %dma_start3A_39] : memref<4160x80xi32, #tpu.memory_space<hbm>> -> memref<1x80xi32, #tpu.memory_space<hbm>>
      %dma_start3A_41 = tpu.memref_squeeze %dma_start3A_40 : memref<1x80xi32, #tpu.memory_space<hbm>> -> memref<80xi32, #tpu.memory_space<hbm>>
      tpu.enqueue_dma source(%dma_start3A_41 : memref<80xi32, #tpu.memory_space<hbm>>) target(%arg9 : memref<80xi32, #tpu.memory_space<vmem>>) target_semaphore(%run_scoped3A : memref<!tpu.dma_semaphore, #tpu.memory_space<semaphore_mem>>)
      %dma_wait3A = arith.constant 0 : i32
      %dma_wait3A_42 = tpu.memref_slice %arg4[%add3A_15, %dma_wait3A] : memref<4160x80xi32, #tpu.memory_space<hbm>> -> memref<1x80xi32, #tpu.memory_space<hbm>>
      %dma_wait3A_43 = tpu.memref_squeeze %dma_wait3A_42 : memref<1x80xi32, #tpu.memory_space<hbm>> -> memref<80xi32, #tpu.memory_space<hbm>>
      %dma_wait3A_44 = arith.constant 0 : i32
      %dma_wait3A_45 = tpu.memref_slice %arg4[%add3A_15, %dma_wait3A_44] : memref<4160x80xi32, #tpu.memory_space<hbm>> -> memref<1x80xi32, #tpu.memory_space<hbm>>
      %dma_wait3A_46 = tpu.memref_squeeze %dma_wait3A_45 : memref<1x80xi32, #tpu.memory_space<hbm>> -> memref<80xi32, #tpu.memory_space<hbm>>
      tpu.wait_dma2 semaphore(%run_scoped3A : memref<!tpu.dma_semaphore, #tpu.memory_space<semaphore_mem>>) src(%dma_wait3A_46 : memref<80xi32, #tpu.memory_space<hbm>>) dst(%arg9 : memref<80xi32, #tpu.memory_space<vmem>>)
      tpu.yield
    }) : () -> ()
    %add3A_16 = arith.constant 1 : i32
    %add3A_17 = arith.addi %mul3A_4, %add3A_16 : i32
    "tpu.region"() ({
      %run_scoped3A = tpu.sem_alloc : memref<!tpu.dma_semaphore, #tpu.memory_space<semaphore_mem>>
      %dma_start3A_36 = arith.constant 0 : i32
      %dma_start3A_37 = tpu.memref_slice %arg5[%add3A_17, %dma_start3A_36] : memref<4160x80xi32, #tpu.memory_space<hbm>> -> memref<1x80xi32, #tpu.memory_space<hbm>>
      %dma_start3A_38 = tpu.memref_squeeze %dma_start3A_37 : memref<1x80xi32, #tpu.memory_space<hbm>> -> memref<80xi32, #tpu.memory_space<hbm>>
      %dma_start3A_39 = arith.constant 0 : i32
      %dma_start3A_40 = tpu.memref_slice %arg5[%add3A_17, %dma_start3A_39] : memref<4160x80xi32, #tpu.memory_space<hbm>> -> memref<1x80xi32, #tpu.memory_space<hbm>>
      %dma_start3A_41 = tpu.memref_squeeze %dma_start3A_40 : memref<1x80xi32, #tpu.memory_space<hbm>> -> memref<80xi32, #tpu.memory_space<hbm>>
      tpu.enqueue_dma source(%dma_start3A_41 : memref<80xi32, #tpu.memory_space<hbm>>) target(%arg11 : memref<80xi32, #tpu.memory_space<vmem>>) target_semaphore(%run_scoped3A : memref<!tpu.dma_semaphore, #tpu.memory_space<semaphore_mem>>)
      %dma_wait3A = arith.constant 0 : i32
      %dma_wait3A_42 = tpu.memref_slice %arg5[%add3A_17, %dma_wait3A] : memref<4160x80xi32, #tpu.memory_space<hbm>> -> memref<1x80xi32, #tpu.memory_space<hbm>>
      %dma_wait3A_43 = tpu.memref_squeeze %dma_wait3A_42 : memref<1x80xi32, #tpu.memory_space<hbm>> -> memref<80xi32, #tpu.memory_space<hbm>>
      %dma_wait3A_44 = arith.constant 0 : i32
      %dma_wait3A_45 = tpu.memref_slice %arg5[%add3A_17, %dma_wait3A_44] : memref<4160x80xi32, #tpu.memory_space<hbm>> -> memref<1x80xi32, #tpu.memory_space<hbm>>
      %dma_wait3A_46 = tpu.memref_squeeze %dma_wait3A_45 : memref<1x80xi32, #tpu.memory_space<hbm>> -> memref<80xi32, #tpu.memory_space<hbm>>
      tpu.wait_dma2 semaphore(%run_scoped3A : memref<!tpu.dma_semaphore, #tpu.memory_space<semaphore_mem>>) src(%dma_wait3A_46 : memref<80xi32, #tpu.memory_space<hbm>>) dst(%arg11 : memref<80xi32, #tpu.memory_space<vmem>>)
      tpu.yield
    }) : () -> ()
    %dma_start3A_18 = arith.constant 0 : i32
    %dma_start3A_19 = arith.constant 0 : i32
    %dma_start3A_20 = tpu.memref_slice %arg2[%dma_start3A_18, %dma_start3A_19] : memref<10240x128xf32, #tpu.memory_space<hbm>> -> memref<10240x128xf32, #tpu.memory_space<hbm>>
    tpu.enqueue_indirect_dma source(%dma_start3A_20 : memref<10240x128xf32, #tpu.memory_space<hbm>>) target(%arg13 : memref<80x128xf32, #tpu.memory_space<vmem>>) offsets(%arg9 : memref<80xi32, #tpu.memory_space<vmem>>) semaphore(%arg19 : memref<!tpu.dma_semaphore, #tpu.memory_space<semaphore_mem>>)
    %dma_start3A_21 = arith.constant 0 : i32
    %dma_start3A_22 = arith.constant 0 : i32
    %dma_start3A_23 = tpu.memref_slice %arg3[%dma_start3A_21, %dma_start3A_22] : memref<10240x128xf32, #tpu.memory_space<hbm>> -> memref<10240x128xf32, #tpu.memory_space<hbm>>
    tpu.enqueue_indirect_dma source(%dma_start3A_23 : memref<10240x128xf32, #tpu.memory_space<hbm>>) target(%arg15 : memref<80x128xf32, #tpu.memory_space<vmem>>) offsets(%arg11 : memref<80xi32, #tpu.memory_space<vmem>>) semaphore(%arg20 : memref<!tpu.dma_semaphore, #tpu.memory_space<semaphore_mem>>)
    %barrier3A = arith.constant 0 : index
    tpu.barrier barrier_id(%barrier3A)
    %scan3A = arith.constant 0 : i32
    %scan3A_24 = arith.constant 65 : i32
    %scan3A_25 = arith.addi %scan3A, %scan3A_24 : i32
    %scan3A_26 = arith.constant 1 : i32
    scf.for %scan3A_36 = %scan3A to %scan3A_25 step %scan3A_26  : i32 {
      %mul3A_37 = arith.constant 1 : i32
      %mul3A_38 = arith.muli %scan3A_36, %mul3A_37 : i32
      %add3A_39 = arith.constant 0 : i32
      %add3A_40 = arith.addi %add3A_39, %mul3A_38 : i32
      %mul3A_41 = arith.constant 2 : i32
      %mul3A_42 = arith.muli %mul3A_41, %add3A_40 : i32
      %add3A_43 = arith.constant 0 : i32
      %add3A_44 = arith.addi %mul3A_42, %add3A_43 : i32
      %dma_wait3A = arith.constant 0 : i32
      %dma_wait3A_45 = arith.constant 0 : i32
      %dma_wait3A_46 = tpu.memref_slice %arg2[%dma_wait3A, %dma_wait3A_45] : memref<10240x128xf32, #tpu.memory_space<hbm>> -> memref<10240x128xf32, #tpu.memory_space<hbm>>
      tpu.wait_indirect_dma semaphore(%arg17 : memref<!tpu.dma_semaphore, #tpu.memory_space<semaphore_mem>>) src(%dma_wait3A_46 : memref<10240x128xf32, #tpu.memory_space<hbm>>) dst(%arg12 : memref<80x128xf32, #tpu.memory_space<vmem>>)
      %dma_wait3A_47 = arith.constant 0 : i32
      %dma_wait3A_48 = arith.constant 0 : i32
      %dma_wait3A_49 = tpu.memref_slice %arg3[%dma_wait3A_47, %dma_wait3A_48] : memref<10240x128xf32, #tpu.memory_space<hbm>> -> memref<10240x128xf32, #tpu.memory_space<hbm>>
      tpu.wait_indirect_dma semaphore(%arg18 : memref<!tpu.dma_semaphore, #tpu.memory_space<semaphore_mem>>) src(%dma_wait3A_49 : memref<10240x128xf32, #tpu.memory_space<hbm>>) dst(%arg14 : memref<80x128xf32, #tpu.memory_space<vmem>>)
      %scan3A_50 = arith.constant 0 : i32
      %scan3A_51 = arith.constant 80 : i32
      %scan3A_52 = arith.addi %scan3A_50, %scan3A_51 : i32
      %scan3A_53 = arith.constant 1 : i32
      scf.for %scan3A_81 = %scan3A_50 to %scan3A_52 step %scan3A_53  : i32 {
        %mul3A_82 = arith.constant 1 : i32
        %mul3A_83 = arith.muli %scan3A_81, %mul3A_82 : i32
        %add3A_84 = arith.constant 0 : i32
        %add3A_85 = arith.addi %add3A_84, %mul3A_83 : i32
        %get3A = arith.index_cast %add3A_85 : i32 to index
        %get3A_86 = arith.constant 48 : index
        %get3A_87 = tpu.vector_load %arg12[%get3A, %get3A_86] {strides = array<i32>} : memref<80x128xf32, #tpu.memory_space<vmem>>, vector<1x16xf32>,
        %get3A_88 = vector.shape_cast %get3A_87 : vector<1x16xf32> to vector<16xf32>
        %get3A_89 = arith.index_cast %add3A_85 : i32 to index
        %get3A_90 = arith.constant 0 : index
        %get3A_91 = tpu.vector_load %arg14[%get3A_89, %get3A_90] {strides = array<i32>} : memref<80x128xf32, #tpu.memory_space<vmem>>, vector<1x16xf32>,
        %get3A_92 = vector.shape_cast %get3A_91 : vector<1x16xf32> to vector<16xf32>
        %add3A_93 = arith.addf %get3A_88, %get3A_92 : vector<16xf32>
        %mul3A_94 = arith.constant 2.000000e-01 : f32
        %mul3A_95 = vector.broadcast %mul3A_94 : f32 to vector<16xf32>
        %mul3A_96 = arith.mulf %mul3A_95, %add3A_93 : vector<16xf32>
        %max3A = arith.maximumf %add3A_93, %mul3A_96 : vector<16xf32>
        %exp3A = math.exp %max3A : vector<16xf32>
        %get3A_97 = arith.index_cast %add3A_85 : i32 to index
        %get3A_98 = arith.constant 0 : index
        %get3A_99 = tpu.vector_load %arg12[%get3A_97, %get3A_98] {strides = array<i32>} : memref<80x128xf32, #tpu.memory_space<vmem>>, vector<1x16xf32>,
        %get3A_100 = vector.shape_cast %get3A_99 : vector<1x16xf32> to vector<16xf32>
        %mul3A_101 = arith.mulf %get3A_100, %exp3A : vector<16xf32>
        %swap3A = arith.index_cast %add3A_85 : i32 to index
        %swap3A_102 = arith.constant 0 : index
        %swap3A_103 = tpu.vector_load %arg12[%swap3A, %swap3A_102] {strides = array<i32>} : memref<80x128xf32, #tpu.memory_space<vmem>>, vector<1x16xf32>,
        %swap3A_104 = vector.shape_cast %swap3A_103 : vector<1x16xf32> to vector<16xf32>
        %swap3A_105 = vector.shape_cast %mul3A_101 : vector<16xf32> to vector<1x16xf32>
        tpu.vector_store %arg12[%swap3A, %swap3A_102], %swap3A_105 {strides = array<i32>} : memref<80x128xf32, #tpu.memory_space<vmem>>, vector<1x16xf32>,
        %get3A_106 = arith.index_cast %add3A_85 : i32 to index
        %get3A_107 = arith.constant 16 : index
        %get3A_108 = tpu.vector_load %arg12[%get3A_106, %get3A_107] {strides = array<i32>} : memref<80x128xf32, #tpu.memory_space<vmem>>, vector<1x16xf32>,
        %get3A_109 = vector.shape_cast %get3A_108 : vector<1x16xf32> to vector<16xf32>
        %mul3A_110 = arith.mulf %get3A_109, %exp3A : vector<16xf32>
        %swap3A_111 = arith.index_cast %add3A_85 : i32 to index
        %swap3A_112 = arith.constant 16 : index
        %swap3A_113 = tpu.vector_load %arg12[%swap3A_111, %swap3A_112] {strides = array<i32>} : memref<80x128xf32, #tpu.memory_space<vmem>>, vector<1x16xf32>,
        %swap3A_114 = vector.shape_cast %swap3A_113 : vector<1x16xf32> to vector<16xf32>
        %swap3A_115 = vector.shape_cast %mul3A_110 : vector<16xf32> to vector<1x16xf32>
        tpu.vector_store %arg12[%swap3A_111, %swap3A_112], %swap3A_115 {strides = array<i32>} : memref<80x128xf32, #tpu.memory_space<vmem>>, vector<1x16xf32>,
        %get3A_116 = arith.index_cast %add3A_85 : i32 to index
        %get3A_117 = arith.constant 32 : index
        %get3A_118 = tpu.vector_load %arg12[%get3A_116, %get3A_117] {strides = array<i32>} : memref<80x128xf32, #tpu.memory_space<vmem>>, vector<1x16xf32>,
        %get3A_119 = vector.shape_cast %get3A_118 : vector<1x16xf32> to vector<16xf32>
        %mul3A_120 = arith.mulf %get3A_119, %exp3A : vector<16xf32>
        %swap3A_121 = arith.index_cast %add3A_85 : i32 to index
        %swap3A_122 = arith.constant 32 : index
        %swap3A_123 = tpu.vector_load %arg12[%swap3A_121, %swap3A_122] {strides = array<i32>} : memref<80x128xf32, #tpu.memory_space<vmem>>, vector<1x16xf32>,
        %swap3A_124 = vector.shape_cast %swap3A_123 : vector<1x16xf32> to vector<16xf32>
        %swap3A_125 = vector.shape_cast %mul3A_120 : vector<16xf32> to vector<1x16xf32>
        tpu.vector_store %arg12[%swap3A_121, %swap3A_122], %swap3A_125 {strides = array<i32>} : memref<80x128xf32, #tpu.memory_space<vmem>>, vector<1x16xf32>,
        %swap3A_126 = arith.index_cast %add3A_85 : i32 to index
        %swap3A_127 = arith.constant 48 : index
        %swap3A_128 = tpu.vector_load %arg12[%swap3A_126, %swap3A_127] {strides = array<i32>} : memref<80x128xf32, #tpu.memory_space<vmem>>, vector<1x16xf32>,
        %swap3A_129 = vector.shape_cast %swap3A_128 : vector<1x16xf32> to vector<16xf32>
        %swap3A_130 = vector.shape_cast %exp3A : vector<16xf32> to vector<1x16xf32>
        tpu.vector_store %arg12[%swap3A_126, %swap3A_127], %swap3A_130 {strides = array<i32>} : memref<80x128xf32, #tpu.memory_space<vmem>>, vector<1x16xf32>,
      }
      %scan3A_54 = arith.constant 80 : i32
      "tpu.region"() ({
        %run_scoped3A = tpu.sem_alloc : memref<!tpu.dma_semaphore, #tpu.memory_space<semaphore_mem>>
        %dma_start3A_81 = arith.constant 0 : i32
        %dma_start3A_82 = arith.constant 0 : i32
        %dma_start3A_83 = tpu.memref_slice %arg16[%dma_start3A_81, %dma_start3A_82] : memref<10240x128xf32, #tpu.memory_space<vmem_shared>> -> memref<10240x128xf32, #tpu.memory_space<vmem_shared>>
        tpu.enqueue_indirect_dma source(%arg12 : memref<80x128xf32, #tpu.memory_space<vmem>>) target(%dma_start3A_83 : memref<10240x128xf32, #tpu.memory_space<vmem_shared>>) offsets(%arg10 : memref<80xi32, #tpu.memory_space<vmem>>) semaphore(%run_scoped3A : memref<!tpu.dma_semaphore, #tpu.memory_space<semaphore_mem>>) {add = true}
        %dma_wait3A_84 = arith.constant 0 : i32
        %dma_wait3A_85 = arith.constant 0 : i32
        %dma_wait3A_86 = tpu.memref_slice %arg16[%dma_wait3A_84, %dma_wait3A_85] : memref<10240x128xf32, #tpu.memory_space<vmem_shared>> -> memref<10240x128xf32, #tpu.memory_space<vmem_shared>>
        tpu.wait_indirect_dma semaphore(%run_scoped3A : memref<!tpu.dma_semaphore, #tpu.memory_space<semaphore_mem>>) src(%arg12 : memref<80x128xf32, #tpu.memory_space<vmem>>) dst(%dma_wait3A_86 : memref<10240x128xf32, #tpu.memory_space<vmem_shared>>)
        tpu.yield
      }) : () -> ()
      %add3A_55 = arith.constant 2 : i32
      %add3A_56 = arith.addi %add3A_44, %add3A_55 : i32
      %lt3A = arith.constant 130 : i32
      %lt3A_57 = arith.cmpi slt, %add3A_56, %lt3A : i32
      %convert_element_type3A = arith.extui %lt3A_57 : i1 to i32
      %cond3A = arith.constant 0 : i32
      %cond3A_58 = arith.cmpi ne, %convert_element_type3A, %cond3A : i32
      scf.if %cond3A_58 {
        %mul3A_81 = arith.constant 130 : i32
        %mul3A_82 = arith.muli %add3A, %mul3A_81 : i32
        %add3A_83 = arith.addi %mul3A_82, %add3A_44 : i32
        %add3A_84 = arith.constant 2 : i32
        %add3A_85 = arith.addi %add3A_83, %add3A_84 : i32
        %dma_start3A_86 = arith.constant 0 : i32
        %dma_start3A_87 = tpu.memref_slice %arg4[%add3A_85, %dma_start3A_86] : memref<4160x80xi32, #tpu.memory_space<hbm>> -> memref<1x80xi32, #tpu.memory_space<hbm>>
        %dma_start3A_88 = tpu.memref_squeeze %dma_start3A_87 : memref<1x80xi32, #tpu.memory_space<hbm>> -> memref<80xi32, #tpu.memory_space<hbm>>
        %dma_start3A_89 = arith.constant 0 : i32
        %dma_start3A_90 = tpu.memref_slice %arg4[%add3A_85, %dma_start3A_89] : memref<4160x80xi32, #tpu.memory_space<hbm>> -> memref<1x80xi32, #tpu.memory_space<hbm>>
        %dma_start3A_91 = tpu.memref_squeeze %dma_start3A_90 : memref<1x80xi32, #tpu.memory_space<hbm>> -> memref<80xi32, #tpu.memory_space<hbm>>
        tpu.enqueue_dma source(%dma_start3A_91 : memref<80xi32, #tpu.memory_space<hbm>>) target(%arg8 : memref<80xi32, #tpu.memory_space<vmem>>) target_semaphore(%arg21 : memref<!tpu.dma_semaphore, #tpu.memory_space<semaphore_mem>>)
        %dma_start3A_92 = arith.constant 0 : i32
        %dma_start3A_93 = tpu.memref_slice %arg5[%add3A_85, %dma_start3A_92] : memref<4160x80xi32, #tpu.memory_space<hbm>> -> memref<1x80xi32, #tpu.memory_space<hbm>>
        %dma_start3A_94 = tpu.memref_squeeze %dma_start3A_93 : memref<1x80xi32, #tpu.memory_space<hbm>> -> memref<80xi32, #tpu.memory_space<hbm>>
        %dma_start3A_95 = arith.constant 0 : i32
        %dma_start3A_96 = tpu.memref_slice %arg5[%add3A_85, %dma_start3A_95] : memref<4160x80xi32, #tpu.memory_space<hbm>> -> memref<1x80xi32, #tpu.memory_space<hbm>>
        %dma_start3A_97 = tpu.memref_squeeze %dma_start3A_96 : memref<1x80xi32, #tpu.memory_space<hbm>> -> memref<80xi32, #tpu.memory_space<hbm>>
        tpu.enqueue_dma source(%dma_start3A_97 : memref<80xi32, #tpu.memory_space<hbm>>) target(%arg10 : memref<80xi32, #tpu.memory_space<vmem>>) target_semaphore(%arg21 : memref<!tpu.dma_semaphore, #tpu.memory_space<semaphore_mem>>)
        %dma_wait3A_98 = arith.constant 0 : i32
        %dma_wait3A_99 = tpu.memref_slice %arg4[%add3A_85, %dma_wait3A_98] : memref<4160x80xi32, #tpu.memory_space<hbm>> -> memref<1x80xi32, #tpu.memory_space<hbm>>
        %dma_wait3A_100 = tpu.memref_squeeze %dma_wait3A_99 : memref<1x80xi32, #tpu.memory_space<hbm>> -> memref<80xi32, #tpu.memory_space<hbm>>
        %dma_wait3A_101 = arith.constant 0 : i32
        %dma_wait3A_102 = tpu.memref_slice %arg4[%add3A_85, %dma_wait3A_101] : memref<4160x80xi32, #tpu.memory_space<hbm>> -> memref<1x80xi32, #tpu.memory_space<hbm>>
        %dma_wait3A_103 = tpu.memref_squeeze %dma_wait3A_102 : memref<1x80xi32, #tpu.memory_space<hbm>> -> memref<80xi32, #tpu.memory_space<hbm>>
        tpu.wait_dma2 semaphore(%arg21 : memref<!tpu.dma_semaphore, #tpu.memory_space<semaphore_mem>>) src(%dma_wait3A_103 : memref<80xi32, #tpu.memory_space<hbm>>) dst(%arg8 : memref<80xi32, #tpu.memory_space<vmem>>)
        %dma_wait3A_104 = arith.constant 0 : i32
        %dma_wait3A_105 = tpu.memref_slice %arg5[%add3A_85, %dma_wait3A_104] : memref<4160x80xi32, #tpu.memory_space<hbm>> -> memref<1x80xi32, #tpu.memory_space<hbm>>
        %dma_wait3A_106 = tpu.memref_squeeze %dma_wait3A_105 : memref<1x80xi32, #tpu.memory_space<hbm>> -> memref<80xi32, #tpu.memory_space<hbm>>
        %dma_wait3A_107 = arith.constant 0 : i32
        %dma_wait3A_108 = tpu.memref_slice %arg5[%add3A_85, %dma_wait3A_107] : memref<4160x80xi32, #tpu.memory_space<hbm>> -> memref<1x80xi32, #tpu.memory_space<hbm>>
        %dma_wait3A_109 = tpu.memref_squeeze %dma_wait3A_108 : memref<1x80xi32, #tpu.memory_space<hbm>> -> memref<80xi32, #tpu.memory_space<hbm>>
        tpu.wait_dma2 semaphore(%arg21 : memref<!tpu.dma_semaphore, #tpu.memory_space<semaphore_mem>>) src(%dma_wait3A_109 : memref<80xi32, #tpu.memory_space<hbm>>) dst(%arg10 : memref<80xi32, #tpu.memory_space<vmem>>)
        %dma_start3A_110 = arith.constant 0 : i32
        %dma_start3A_111 = arith.constant 0 : i32
        %dma_start3A_112 = tpu.memref_slice %arg2[%dma_start3A_110, %dma_start3A_111] : memref<10240x128xf32, #tpu.memory_space<hbm>> -> memref<10240x128xf32, #tpu.memory_space<hbm>>
        tpu.enqueue_indirect_dma source(%dma_start3A_112 : memref<10240x128xf32, #tpu.memory_space<hbm>>) target(%arg12 : memref<80x128xf32, #tpu.memory_space<vmem>>) offsets(%arg8 : memref<80xi32, #tpu.memory_space<vmem>>) semaphore(%arg17 : memref<!tpu.dma_semaphore, #tpu.memory_space<semaphore_mem>>)
        %dma_start3A_113 = arith.constant 0 : i32
        %dma_start3A_114 = arith.constant 0 : i32
        %dma_start3A_115 = tpu.memref_slice %arg3[%dma_start3A_113, %dma_start3A_114] : memref<10240x128xf32, #tpu.memory_space<hbm>> -> memref<10240x128xf32, #tpu.memory_space<hbm>>
        tpu.enqueue_indirect_dma source(%dma_start3A_115 : memref<10240x128xf32, #tpu.memory_space<hbm>>) target(%arg14 : memref<80x128xf32, #tpu.memory_space<vmem>>) offsets(%arg10 : memref<80xi32, #tpu.memory_space<vmem>>) semaphore(%arg18 : memref<!tpu.dma_semaphore, #tpu.memory_space<semaphore_mem>>)
      } else {
      }
      %mul3A_59 = arith.constant 2 : i32
      %mul3A_60 = arith.muli %mul3A_59, %add3A_40 : i32
      %add3A_61 = arith.constant 1 : i32
      %add3A_62 = arith.addi %mul3A_60, %add3A_61 : i32
      %dma_wait3A_63 = arith.constant 0 : i32
      %dma_wait3A_64 = arith.constant 0 : i32
      %dma_wait3A_65 = tpu.memref_slice %arg2[%dma_wait3A_63, %dma_wait3A_64] : memref<10240x128xf32, #tpu.memory_space<hbm>> -> memref<10240x128xf32, #tpu.memory_space<hbm>>
      tpu.wait_indirect_dma semaphore(%arg19 : memref<!tpu.dma_semaphore, #tpu.memory_space<semaphore_mem>>) src(%dma_wait3A_65 : memref<10240x128xf32, #tpu.memory_space<hbm>>) dst(%arg13 : memref<80x128xf32, #tpu.memory_space<vmem>>)
      %dma_wait3A_66 = arith.constant 0 : i32
      %dma_wait3A_67 = arith.constant 0 : i32
      %dma_wait3A_68 = tpu.memref_slice %arg3[%dma_wait3A_66, %dma_wait3A_67] : memref<10240x128xf32, #tpu.memory_space<hbm>> -> memref<10240x128xf32, #tpu.memory_space<hbm>>
      tpu.wait_indirect_dma semaphore(%arg20 : memref<!tpu.dma_semaphore, #tpu.memory_space<semaphore_mem>>) src(%dma_wait3A_68 : memref<10240x128xf32, #tpu.memory_space<hbm>>) dst(%arg15 : memref<80x128xf32, #tpu.memory_space<vmem>>)
      %scan3A_69 = arith.constant 0 : i32
      %scan3A_70 = arith.constant 80 : i32
      %scan3A_71 = arith.addi %scan3A_69, %scan3A_70 : i32
      %scan3A_72 = arith.constant 1 : i32
      scf.for %scan3A_81 = %scan3A_69 to %scan3A_71 step %scan3A_72  : i32 {
        %mul3A_82 = arith.constant 1 : i32
        %mul3A_83 = arith.muli %scan3A_81, %mul3A_82 : i32
        %add3A_84 = arith.constant 0 : i32
        %add3A_85 = arith.addi %add3A_84, %mul3A_83 : i32
        %get3A = arith.index_cast %add3A_85 : i32 to index
        %get3A_86 = arith.constant 48 : index
        %get3A_87 = tpu.vector_load %arg13[%get3A, %get3A_86] {strides = array<i32>} : memref<80x128xf32, #tpu.memory_space<vmem>>, vector<1x16xf32>,
        %get3A_88 = vector.shape_cast %get3A_87 : vector<1x16xf32> to vector<16xf32>
        %get3A_89 = arith.index_cast %add3A_85 : i32 to index
        %get3A_90 = arith.constant 0 : index
        %get3A_91 = tpu.vector_load %arg15[%get3A_89, %get3A_90] {strides = array<i32>} : memref<80x128xf32, #tpu.memory_space<vmem>>, vector<1x16xf32>,
        %get3A_92 = vector.shape_cast %get3A_91 : vector<1x16xf32> to vector<16xf32>
        %add3A_93 = arith.addf %get3A_88, %get3A_92 : vector<16xf32>
        %mul3A_94 = arith.constant 2.000000e-01 : f32
        %mul3A_95 = vector.broadcast %mul3A_94 : f32 to vector<16xf32>
        %mul3A_96 = arith.mulf %mul3A_95, %add3A_93 : vector<16xf32>
        %max3A = arith.maximumf %add3A_93, %mul3A_96 : vector<16xf32>
        %exp3A = math.exp %max3A : vector<16xf32>
        %get3A_97 = arith.index_cast %add3A_85 : i32 to index
        %get3A_98 = arith.constant 0 : index
        %get3A_99 = tpu.vector_load %arg13[%get3A_97, %get3A_98] {strides = array<i32>} : memref<80x128xf32, #tpu.memory_space<vmem>>, vector<1x16xf32>,
        %get3A_100 = vector.shape_cast %get3A_99 : vector<1x16xf32> to vector<16xf32>
        %mul3A_101 = arith.mulf %get3A_100, %exp3A : vector<16xf32>
        %swap3A = arith.index_cast %add3A_85 : i32 to index
        %swap3A_102 = arith.constant 0 : index
        %swap3A_103 = tpu.vector_load %arg13[%swap3A, %swap3A_102] {strides = array<i32>} : memref<80x128xf32, #tpu.memory_space<vmem>>, vector<1x16xf32>,
        %swap3A_104 = vector.shape_cast %swap3A_103 : vector<1x16xf32> to vector<16xf32>
        %swap3A_105 = vector.shape_cast %mul3A_101 : vector<16xf32> to vector<1x16xf32>
        tpu.vector_store %arg13[%swap3A, %swap3A_102], %swap3A_105 {strides = array<i32>} : memref<80x128xf32, #tpu.memory_space<vmem>>, vector<1x16xf32>,
        %get3A_106 = arith.index_cast %add3A_85 : i32 to index
        %get3A_107 = arith.constant 16 : index
        %get3A_108 = tpu.vector_load %arg13[%get3A_106, %get3A_107] {strides = array<i32>} : memref<80x128xf32, #tpu.memory_space<vmem>>, vector<1x16xf32>,
        %get3A_109 = vector.shape_cast %get3A_108 : vector<1x16xf32> to vector<16xf32>
        %mul3A_110 = arith.mulf %get3A_109, %exp3A : vector<16xf32>
        %swap3A_111 = arith.index_cast %add3A_85 : i32 to index
        %swap3A_112 = arith.constant 16 : index
        %swap3A_113 = tpu.vector_load %arg13[%swap3A_111, %swap3A_112] {strides = array<i32>} : memref<80x128xf32, #tpu.memory_space<vmem>>, vector<1x16xf32>,
        %swap3A_114 = vector.shape_cast %swap3A_113 : vector<1x16xf32> to vector<16xf32>
        %swap3A_115 = vector.shape_cast %mul3A_110 : vector<16xf32> to vector<1x16xf32>
        tpu.vector_store %arg13[%swap3A_111, %swap3A_112], %swap3A_115 {strides = array<i32>} : memref<80x128xf32, #tpu.memory_space<vmem>>, vector<1x16xf32>,
        %get3A_116 = arith.index_cast %add3A_85 : i32 to index
        %get3A_117 = arith.constant 32 : index
        %get3A_118 = tpu.vector_load %arg13[%get3A_116, %get3A_117] {strides = array<i32>} : memref<80x128xf32, #tpu.memory_space<vmem>>, vector<1x16xf32>,
        %get3A_119 = vector.shape_cast %get3A_118 : vector<1x16xf32> to vector<16xf32>
        %mul3A_120 = arith.mulf %get3A_119, %exp3A : vector<16xf32>
        %swap3A_121 = arith.index_cast %add3A_85 : i32 to index
        %swap3A_122 = arith.constant 32 : index
        %swap3A_123 = tpu.vector_load %arg13[%swap3A_121, %swap3A_122] {strides = array<i32>} : memref<80x128xf32, #tpu.memory_space<vmem>>, vector<1x16xf32>,
        %swap3A_124 = vector.shape_cast %swap3A_123 : vector<1x16xf32> to vector<16xf32>
        %swap3A_125 = vector.shape_cast %mul3A_120 : vector<16xf32> to vector<1x16xf32>
        tpu.vector_store %arg13[%swap3A_121, %swap3A_122], %swap3A_125 {strides = array<i32>} : memref<80x128xf32, #tpu.memory_space<vmem>>, vector<1x16xf32>,
        %swap3A_126 = arith.index_cast %add3A_85 : i32 to index
        %swap3A_127 = arith.constant 48 : index
        %swap3A_128 = tpu.vector_load %arg13[%swap3A_126, %swap3A_127] {strides = array<i32>} : memref<80x128xf32, #tpu.memory_space<vmem>>, vector<1x16xf32>,
        %swap3A_129 = vector.shape_cast %swap3A_128 : vector<1x16xf32> to vector<16xf32>
        %swap3A_130 = vector.shape_cast %exp3A : vector<16xf32> to vector<1x16xf32>
        tpu.vector_store %arg13[%swap3A_126, %swap3A_127], %swap3A_130 {strides = array<i32>} : memref<80x128xf32, #tpu.memory_space<vmem>>, vector<1x16xf32>,
      }
      %scan3A_73 = arith.constant 80 : i32
      "tpu.region"() ({
        %run_scoped3A = tpu.sem_alloc : memref<!tpu.dma_semaphore, #tpu.memory_space<semaphore_mem>>
        %dma_start3A_81 = arith.constant 0 : i32
        %dma_start3A_82 = arith.constant 0 : i32
        %dma_start3A_83 = tpu.memref_slice %arg16[%dma_start3A_81, %dma_start3A_82] : memref<10240x128xf32, #tpu.memory_space<vmem_shared>> -> memref<10240x128xf32, #tpu.memory_space<vmem_shared>>
        tpu.enqueue_indirect_dma source(%arg13 : memref<80x128xf32, #tpu.memory_space<vmem>>) target(%dma_start3A_83 : memref<10240x128xf32, #tpu.memory_space<vmem_shared>>) offsets(%arg11 : memref<80xi32, #tpu.memory_space<vmem>>) semaphore(%run_scoped3A : memref<!tpu.dma_semaphore, #tpu.memory_space<semaphore_mem>>) {add = true}
        %dma_wait3A_84 = arith.constant 0 : i32
        %dma_wait3A_85 = arith.constant 0 : i32
        %dma_wait3A_86 = tpu.memref_slice %arg16[%dma_wait3A_84, %dma_wait3A_85] : memref<10240x128xf32, #tpu.memory_space<vmem_shared>> -> memref<10240x128xf32, #tpu.memory_space<vmem_shared>>
        tpu.wait_indirect_dma semaphore(%run_scoped3A : memref<!tpu.dma_semaphore, #tpu.memory_space<semaphore_mem>>) src(%arg13 : memref<80x128xf32, #tpu.memory_space<vmem>>) dst(%dma_wait3A_86 : memref<10240x128xf32, #tpu.memory_space<vmem_shared>>)
        tpu.yield
      }) : () -> ()
      %add3A_74 = arith.constant 2 : i32
      %add3A_75 = arith.addi %add3A_62, %add3A_74 : i32
      %lt3A_76 = arith.constant 130 : i32
      %lt3A_77 = arith.cmpi slt, %add3A_75, %lt3A_76 : i32
      %convert_element_type3A_78 = arith.extui %lt3A_77 : i1 to i32
      %cond3A_79 = arith.constant 0 : i32
      %cond3A_80 = arith.cmpi ne, %convert_element_type3A_78, %cond3A_79 : i32
      scf.if %cond3A_80 {
        %mul3A_81 = arith.constant 130 : i32
        %mul3A_82 = arith.muli %add3A, %mul3A_81 : i32
        %add3A_83 = arith.addi %mul3A_82, %add3A_62 : i32
        %add3A_84 = arith.constant 2 : i32
        %add3A_85 = arith.addi %add3A_83, %add3A_84 : i32
        %dma_start3A_86 = arith.constant 0 : i32
        %dma_start3A_87 = tpu.memref_slice %arg4[%add3A_85, %dma_start3A_86] : memref<4160x80xi32, #tpu.memory_space<hbm>> -> memref<1x80xi32, #tpu.memory_space<hbm>>
        %dma_start3A_88 = tpu.memref_squeeze %dma_start3A_87 : memref<1x80xi32, #tpu.memory_space<hbm>> -> memref<80xi32, #tpu.memory_space<hbm>>
        %dma_start3A_89 = arith.constant 0 : i32
        %dma_start3A_90 = tpu.memref_slice %arg4[%add3A_85, %dma_start3A_89] : memref<4160x80xi32, #tpu.memory_space<hbm>> -> memref<1x80xi32, #tpu.memory_space<hbm>>
        %dma_start3A_91 = tpu.memref_squeeze %dma_start3A_90 : memref<1x80xi32, #tpu.memory_space<hbm>> -> memref<80xi32, #tpu.memory_space<hbm>>
        tpu.enqueue_dma source(%dma_start3A_91 : memref<80xi32, #tpu.memory_space<hbm>>) target(%arg9 : memref<80xi32, #tpu.memory_space<vmem>>) target_semaphore(%arg22 : memref<!tpu.dma_semaphore, #tpu.memory_space<semaphore_mem>>)
        %dma_start3A_92 = arith.constant 0 : i32
        %dma_start3A_93 = tpu.memref_slice %arg5[%add3A_85, %dma_start3A_92] : memref<4160x80xi32, #tpu.memory_space<hbm>> -> memref<1x80xi32, #tpu.memory_space<hbm>>
        %dma_start3A_94 = tpu.memref_squeeze %dma_start3A_93 : memref<1x80xi32, #tpu.memory_space<hbm>> -> memref<80xi32, #tpu.memory_space<hbm>>
        %dma_start3A_95 = arith.constant 0 : i32
        %dma_start3A_96 = tpu.memref_slice %arg5[%add3A_85, %dma_start3A_95] : memref<4160x80xi32, #tpu.memory_space<hbm>> -> memref<1x80xi32, #tpu.memory_space<hbm>>
        %dma_start3A_97 = tpu.memref_squeeze %dma_start3A_96 : memref<1x80xi32, #tpu.memory_space<hbm>> -> memref<80xi32, #tpu.memory_space<hbm>>
        tpu.enqueue_dma source(%dma_start3A_97 : memref<80xi32, #tpu.memory_space<hbm>>) target(%arg11 : memref<80xi32, #tpu.memory_space<vmem>>) target_semaphore(%arg22 : memref<!tpu.dma_semaphore, #tpu.memory_space<semaphore_mem>>)
        %dma_wait3A_98 = arith.constant 0 : i32
        %dma_wait3A_99 = tpu.memref_slice %arg4[%add3A_85, %dma_wait3A_98] : memref<4160x80xi32, #tpu.memory_space<hbm>> -> memref<1x80xi32, #tpu.memory_space<hbm>>
        %dma_wait3A_100 = tpu.memref_squeeze %dma_wait3A_99 : memref<1x80xi32, #tpu.memory_space<hbm>> -> memref<80xi32, #tpu.memory_space<hbm>>
        %dma_wait3A_101 = arith.constant 0 : i32
        %dma_wait3A_102 = tpu.memref_slice %arg4[%add3A_85, %dma_wait3A_101] : memref<4160x80xi32, #tpu.memory_space<hbm>> -> memref<1x80xi32, #tpu.memory_space<hbm>>
        %dma_wait3A_103 = tpu.memref_squeeze %dma_wait3A_102 : memref<1x80xi32, #tpu.memory_space<hbm>> -> memref<80xi32, #tpu.memory_space<hbm>>
        tpu.wait_dma2 semaphore(%arg22 : memref<!tpu.dma_semaphore, #tpu.memory_space<semaphore_mem>>) src(%dma_wait3A_103 : memref<80xi32, #tpu.memory_space<hbm>>) dst(%arg9 : memref<80xi32, #tpu.memory_space<vmem>>)
        %dma_wait3A_104 = arith.constant 0 : i32
        %dma_wait3A_105 = tpu.memref_slice %arg5[%add3A_85, %dma_wait3A_104] : memref<4160x80xi32, #tpu.memory_space<hbm>> -> memref<1x80xi32, #tpu.memory_space<hbm>>
        %dma_wait3A_106 = tpu.memref_squeeze %dma_wait3A_105 : memref<1x80xi32, #tpu.memory_space<hbm>> -> memref<80xi32, #tpu.memory_space<hbm>>
        %dma_wait3A_107 = arith.constant 0 : i32
        %dma_wait3A_108 = tpu.memref_slice %arg5[%add3A_85, %dma_wait3A_107] : memref<4160x80xi32, #tpu.memory_space<hbm>> -> memref<1x80xi32, #tpu.memory_space<hbm>>
        %dma_wait3A_109 = tpu.memref_squeeze %dma_wait3A_108 : memref<1x80xi32, #tpu.memory_space<hbm>> -> memref<80xi32, #tpu.memory_space<hbm>>
        tpu.wait_dma2 semaphore(%arg22 : memref<!tpu.dma_semaphore, #tpu.memory_space<semaphore_mem>>) src(%dma_wait3A_109 : memref<80xi32, #tpu.memory_space<hbm>>) dst(%arg11 : memref<80xi32, #tpu.memory_space<vmem>>)
        %dma_start3A_110 = arith.constant 0 : i32
        %dma_start3A_111 = arith.constant 0 : i32
        %dma_start3A_112 = tpu.memref_slice %arg2[%dma_start3A_110, %dma_start3A_111] : memref<10240x128xf32, #tpu.memory_space<hbm>> -> memref<10240x128xf32, #tpu.memory_space<hbm>>
        tpu.enqueue_indirect_dma source(%dma_start3A_112 : memref<10240x128xf32, #tpu.memory_space<hbm>>) target(%arg13 : memref<80x128xf32, #tpu.memory_space<vmem>>) offsets(%arg9 : memref<80xi32, #tpu.memory_space<vmem>>) semaphore(%arg19 : memref<!tpu.dma_semaphore, #tpu.memory_space<semaphore_mem>>)
        %dma_start3A_113 = arith.constant 0 : i32
        %dma_start3A_114 = arith.constant 0 : i32
        %dma_start3A_115 = tpu.memref_slice %arg3[%dma_start3A_113, %dma_start3A_114] : memref<10240x128xf32, #tpu.memory_space<hbm>> -> memref<10240x128xf32, #tpu.memory_space<hbm>>
        tpu.enqueue_indirect_dma source(%dma_start3A_115 : memref<10240x128xf32, #tpu.memory_space<hbm>>) target(%arg15 : memref<80x128xf32, #tpu.memory_space<vmem>>) offsets(%arg11 : memref<80xi32, #tpu.memory_space<vmem>>) semaphore(%arg20 : memref<!tpu.dma_semaphore, #tpu.memory_space<semaphore_mem>>)
      } else {
      }
    }
    %scan3A_27 = arith.constant 65 : i32
    %barrier3A_28 = arith.constant 0 : index
    tpu.barrier barrier_id(%barrier3A_28)
    %mul3A_29 = arith.constant 640 : i32
    %mul3A_30 = arith.muli %arg1, %mul3A_29 : i32
    %mul3A_31 = arith.constant 10240 : i32
    %mul3A_32 = arith.muli %arg0, %mul3A_31 : i32
    %mul3A_33 = arith.constant 640 : i32
    %mul3A_34 = arith.muli %arg1, %mul3A_33 : i32
    %add3A_35 = arith.addi %mul3A_32, %mul3A_34 : i32
    "tpu.region"() ({
      %run_scoped3A = tpu.sem_alloc : memref<!tpu.dma_semaphore, #tpu.memory_space<semaphore_mem>>
      %dma_start3A_36 = arith.constant 0 : i32
      %dma_start3A_37 = tpu.memref_slice %arg7[%add3A_35, %dma_start3A_36] : memref<20480x128xf32, #tpu.memory_space<hbm>> -> memref<640x128xf32, #tpu.memory_space<hbm>>
      %dma_start3A_38 = arith.constant 0 : i32
      %dma_start3A_39 = tpu.memref_slice %arg16[%mul3A_30, %dma_start3A_38] : memref<10240x128xf32, #tpu.memory_space<vmem_shared>> -> memref<640x128xf32, #tpu.memory_space<vmem_shared>>
      tpu.enqueue_dma source(%dma_start3A_39 : memref<640x128xf32, #tpu.memory_space<vmem_shared>>) target(%dma_start3A_37 : memref<640x128xf32, #tpu.memory_space<hbm>>) target_semaphore(%run_scoped3A : memref<!tpu.dma_semaphore, #tpu.memory_space<semaphore_mem>>)
      %dma_wait3A = arith.constant 0 : i32
      %dma_wait3A_40 = tpu.memref_slice %arg7[%add3A_35, %dma_wait3A] : memref<20480x128xf32, #tpu.memory_space<hbm>> -> memref<640x128xf32, #tpu.memory_space<hbm>>
      %dma_wait3A_41 = arith.constant 0 : i32
      %dma_wait3A_42 = tpu.memref_slice %arg16[%mul3A_30, %dma_wait3A_41] : memref<10240x128xf32, #tpu.memory_space<vmem_shared>> -> memref<640x128xf32, #tpu.memory_space<vmem_shared>>
      tpu.wait_dma2 semaphore(%run_scoped3A : memref<!tpu.dma_semaphore, #tpu.memory_space<semaphore_mem>>) src(%dma_wait3A_42 : memref<640x128xf32, #tpu.memory_space<vmem_shared>>) dst(%dma_wait3A_40 : memref<640x128xf32, #tpu.memory_space<hbm>>)
      tpu.yield
    }) : () -> ()
    return
  }
}

module attributes {stable_mosaic.version = 14 : i64} {
  func.func @_tc_tables1(%arg0: i32, %arg1: memref<512x128xf32, #tpu.memory_space<vmem>>, %arg2: memref<128x64xf32, #tpu.memory_space<vmem>>, %arg3: memref<64x64xf32, #tpu.memory_space<vmem>>, %arg4: memref<64x64xf32, #tpu.memory_space<vmem>>, %arg5: memref<512x128xf32, #tpu.memory_space<vmem>>, %arg6: memref<512x128xf32, #tpu.memory_space<vmem>>) attributes {dimension_semantics = [#tpu.dimension_semantics<arbitrary>], iteration_bounds = array<i64: 20>, scalar_prefetch = 0 : i64, scratch_operands = 0 : i64, tpu.core_type = #tpu.core_type<tc>, window_params = [{transform_indices = @transform_0, window_bounds = array<i64: 512, 128>}, {pipeline_mode = #tpu.pipeline_mode<synchronous>, transform_indices = @transform_1, window_bounds = array<i64: 128, 64>}, {pipeline_mode = #tpu.pipeline_mode<synchronous>, transform_indices = @transform_2, window_bounds = array<i64: 64, 64>}, {pipeline_mode = #tpu.pipeline_mode<synchronous>, transform_indices = @transform_3, window_bounds = array<i64: 64, 64>}, {transform_indices = @transform_4, window_bounds = array<i64: 512, 128>}, {transform_indices = @transform_5, window_bounds = array<i64: 512, 128>}]} {
    %get3A = arith.constant 0 : index
    %get3A_0 = arith.constant 0 : index
    %get3A_1 = vector.load %arg1[%get3A, %get3A_0] : memref<512x128xf32, #tpu.memory_space<vmem>>, vector<512x128xf32>
    %get3A_2 = arith.constant 0 : index
    %get3A_3 = arith.constant 0 : index
    %get3A_4 = vector.load %arg2[%get3A_2, %get3A_3] : memref<128x64xf32, #tpu.memory_space<vmem>>, vector<128x64xf32>
    %dot_general3A = arith.constant dense<0.000000e+00> : vector<512x64xf32>
    %dot_general3A_5 = tpu.matmul %get3A_1, %get3A_4, %dot_general3A {dimension_numbers = #tpu.dot_dimension_numbers<[1], [0], [0], [1], [0, 0, 1, 1], [], []>, transpose_lhs_hint = false} : vector<512x128xf32>, vector<128x64xf32>, vector<512x64xf32> -> vector<512x64xf32>
    %get3A_6 = arith.constant 0 : index
    %get3A_7 = arith.constant 0 : index
    %get3A_8 = vector.load %arg3[%get3A_6, %get3A_7] : memref<64x64xf32, #tpu.memory_space<vmem>>, vector<64x64xf32>
    %dot_general3A_9 = arith.constant dense<0.000000e+00> : vector<512x64xf32>
    %dot_general3A_10 = tpu.matmul %dot_general3A_5, %get3A_8, %dot_general3A_9 {dimension_numbers = #tpu.dot_dimension_numbers<[1], [0], [0], [1], [0, 0, 1, 1], [], []>, transpose_lhs_hint = false} : vector<512x64xf32>, vector<64x64xf32>, vector<512x64xf32> -> vector<512x64xf32>
    %get3A_11 = arith.constant 0 : index
    %get3A_12 = arith.constant 0 : index
    %get3A_13 = vector.load %arg4[%get3A_11, %get3A_12] : memref<64x64xf32, #tpu.memory_space<vmem>>, vector<64x64xf32>
    %dot_general3A_14 = arith.constant dense<0.000000e+00> : vector<512x64xf32>
    %dot_general3A_15 = tpu.matmul %dot_general3A_5, %get3A_13, %dot_general3A_14 {dimension_numbers = #tpu.dot_dimension_numbers<[1], [0], [0], [1], [0, 0, 1, 1], [], []>, transpose_lhs_hint = false} : vector<512x64xf32>, vector<64x64xf32>, vector<512x64xf32> -> vector<512x64xf32>
    %concatenate3A = tpu.concatenate %dot_general3A_5, %dot_general3A_10 in 1 : vector<512x64xf32>, vector<512x64xf32> -> vector<512x128xf32>
    %swap3A = arith.constant 0 : index
    %swap3A_16 = arith.constant 0 : index
    %swap3A_17 = vector.load %arg5[%swap3A, %swap3A_16] : memref<512x128xf32, #tpu.memory_space<vmem>>, vector<512x128xf32>
    tpu.vector_store %arg5[%swap3A, %swap3A_16], %concatenate3A {strides = array<i32>} : memref<512x128xf32, #tpu.memory_space<vmem>>, vector<512x128xf32>,
    %broadcast_in_dim3A = arith.constant 0.000000e+00 : f32
    %broadcast_in_dim3A_18 = vector.broadcast %broadcast_in_dim3A : f32 to vector<512x64xf32>
    %concatenate3A_19 = tpu.concatenate %dot_general3A_15, %broadcast_in_dim3A_18 in 1 : vector<512x64xf32>, vector<512x64xf32> -> vector<512x128xf32>
    %swap3A_20 = arith.constant 0 : index
    %swap3A_21 = arith.constant 0 : index
    %swap3A_22 = vector.load %arg6[%swap3A_20, %swap3A_21] : memref<512x128xf32, #tpu.memory_space<vmem>>, vector<512x128xf32>
    tpu.vector_store %arg6[%swap3A_20, %swap3A_21], %concatenate3A_19 {strides = array<i32>} : memref<512x128xf32, #tpu.memory_space<vmem>>, vector<512x128xf32>,
    return
  }
  func.func @transform_0(%arg0: i32) -> (i32, i32) {
    %c0_i32 = arith.constant 0 : i32
    %c0_i32_0 = arith.constant 0 : i32
    return %arg0, %c0_i32 : i32, i32
  }
  func.func @transform_1(%arg0: i32) -> (i32, i32) {
    %c0_i32 = arith.constant 0 : i32
    %c0_i32_0 = arith.constant 0 : i32
    %c0_i32_1 = arith.constant 0 : i32
    return %c0_i32, %c0_i32_0 : i32, i32
  }
  func.func @transform_2(%arg0: i32) -> (i32, i32) {
    %c0_i32 = arith.constant 0 : i32
    %c0_i32_0 = arith.constant 0 : i32
    %c0_i32_1 = arith.constant 0 : i32
    return %c0_i32, %c0_i32_0 : i32, i32
  }
  func.func @transform_3(%arg0: i32) -> (i32, i32) {
    %c0_i32 = arith.constant 0 : i32
    %c0_i32_0 = arith.constant 0 : i32
    %c0_i32_1 = arith.constant 0 : i32
    return %c0_i32, %c0_i32_0 : i32, i32
  }
  func.func @transform_4(%arg0: i32) -> (i32, i32) {
    %c0_i32 = arith.constant 0 : i32
    %c0_i32_0 = arith.constant 0 : i32
    return %arg0, %c0_i32 : i32, i32
  }
  func.func @transform_5(%arg0: i32) -> (i32, i32) {
    %c0_i32 = arith.constant 0 : i32
    %c0_i32_0 = arith.constant 0 : i32
    return %arg0, %c0_i32 : i32, i32
  }
}

module attributes {stable_mosaic.version = 14 : i64} {
  func.func @_tc_combine1(%arg0: i32, %arg1: memref<2x512x128xf32, #tpu.memory_space<vmem>>, %arg2: memref<1x64xf32, #tpu.memory_space<vmem>>, %arg3: memref<64x40xf32, #tpu.memory_space<vmem>>, %arg4: memref<40x16xf32, #tpu.memory_space<vmem>>, %arg5: memref<40x16xf32, #tpu.memory_space<vmem>>, %arg6: memref<512x128xf32, #tpu.memory_space<vmem>>, %arg7: memref<512x128xf32, #tpu.memory_space<vmem>>) attributes {dimension_semantics = [#tpu.dimension_semantics<arbitrary>], iteration_bounds = array<i64: 20>, scalar_prefetch = 0 : i64, scratch_operands = 0 : i64, tpu.core_type = #tpu.core_type<tc>, window_params = [{transform_indices = @transform_0, window_bounds = array<i64: 2, 512, 128>}, {pipeline_mode = #tpu.pipeline_mode<synchronous>, transform_indices = @transform_1, window_bounds = array<i64: 1, 64>}, {pipeline_mode = #tpu.pipeline_mode<synchronous>, transform_indices = @transform_2, window_bounds = array<i64: 64, 40>}, {pipeline_mode = #tpu.pipeline_mode<synchronous>, transform_indices = @transform_3, window_bounds = array<i64: 40, 16>}, {pipeline_mode = #tpu.pipeline_mode<synchronous>, transform_indices = @transform_4, window_bounds = array<i64: 40, 16>}, {transform_indices = @transform_5, window_bounds = array<i64: 512, 128>}, {transform_indices = @transform_6, window_bounds = array<i64: 512, 128>}]} {
    %get3A = arith.constant 0 : index
    %get3A_0 = arith.constant 0 : index
    %get3A_1 = arith.constant 0 : index
    %get3A_2 = vector.load %arg1[%get3A, %get3A_0, %get3A_1] : memref<2x512x128xf32, #tpu.memory_space<vmem>>, vector<1x512x128xf32>
    %get3A_3 = vector.shape_cast %get3A_2 : vector<1x512x128xf32> to vector<512x128xf32>
    %get3A_4 = arith.constant 1 : index
    %get3A_5 = arith.constant 0 : index
    %get3A_6 = arith.constant 0 : index
    %get3A_7 = vector.load %arg1[%get3A_4, %get3A_5, %get3A_6] : memref<2x512x128xf32, #tpu.memory_space<vmem>>, vector<1x512x128xf32>
    %get3A_8 = vector.shape_cast %get3A_7 : vector<1x512x128xf32> to vector<512x128xf32>
    %add3A = arith.addf %get3A_3, %get3A_8 : vector<512x128xf32>
    %slice3A = vector.extract_strided_slice %add3A {offsets = [0, 0], sizes = [512, 64], strides = [1, 1]} : vector<512x128xf32> to vector<512x64xf32>
    %slice3A_9 = vector.extract_strided_slice %add3A {offsets = [0, 64], sizes = [512, 64], strides = [1, 1]} : vector<512x128xf32> to vector<512x64xf32>
    %add3A_10 = arith.constant 1.000000e-16 : f32
    %add3A_11 = vector.broadcast %add3A_10 : f32 to vector<512x64xf32>
    %add3A_12 = arith.addf %slice3A_9, %add3A_11 : vector<512x64xf32>
    %div3A = arith.divf %slice3A, %add3A_12 : vector<512x64xf32>
    %get3A_13 = arith.constant 0 : index
    %get3A_14 = arith.constant 0 : index
    %get3A_15 = vector.load %arg2[%get3A_13, %get3A_14] : memref<1x64xf32, #tpu.memory_space<vmem>>, vector<1x64xf32>
    %add3A_16 = vector.broadcast %get3A_15 : vector<1x64xf32> to vector<512x64xf32>
    %add3A_17 = arith.addf %div3A, %add3A_16 : vector<512x64xf32>
    %gt3A = arith.constant 0.000000e+00 : f32
    %gt3A_18 = vector.broadcast %gt3A : f32 to vector<512x64xf32>
    %gt3A_19 = arith.cmpf ogt, %add3A_17, %gt3A_18 : vector<512x64xf32>
    %min3A = arith.constant 0.000000e+00 : f32
    %min3A_20 = vector.broadcast %min3A : f32 to vector<512x64xf32>
    %min3A_21 = arith.minimumf %add3A_17, %min3A_20 : vector<512x64xf32>
    %exp3A = math.exp %min3A_21 : vector<512x64xf32>
    %sub3A = arith.constant 1.000000e+00 : f32
    %sub3A_22 = vector.broadcast %sub3A : f32 to vector<512x64xf32>
    %sub3A_23 = arith.subf %exp3A, %sub3A_22 : vector<512x64xf32>
    %select_n3A = arith.select %gt3A_19, %add3A_17, %sub3A_23 : vector<512x64xi1>, vector<512x64xf32>
    %get3A_24 = arith.constant 0 : index
    %get3A_25 = arith.constant 0 : index
    %get3A_26 = vector.load %arg3[%get3A_24, %get3A_25] : memref<64x40xf32, #tpu.memory_space<vmem>>, vector<64x40xf32>
    %dot_general3A = arith.constant dense<0.000000e+00> : vector<512x40xf32>
    %dot_general3A_27 = tpu.matmul %select_n3A, %get3A_26, %dot_general3A {dimension_numbers = #tpu.dot_dimension_numbers<[1], [0], [0], [1], [0, 0, 1, 1], [], []>, transpose_lhs_hint = false} : vector<512x64xf32>, vector<64x40xf32>, vector<512x40xf32> -> vector<512x40xf32>
    %get3A_28 = arith.constant 0 : index
    %get3A_29 = arith.constant 0 : index
    %get3A_30 = vector.load %arg4[%get3A_28, %get3A_29] : memref<40x16xf32, #tpu.memory_space<vmem>>, vector<40x16xf32>
    %dot_general3A_31 = arith.constant dense<0.000000e+00> : vector<512x16xf32>
    %dot_general3A_32 = tpu.matmul %dot_general3A_27, %get3A_30, %dot_general3A_31 {dimension_numbers = #tpu.dot_dimension_numbers<[1], [0], [0], [1], [0, 0, 1, 1], [], []>, transpose_lhs_hint = false} : vector<512x40xf32>, vector<40x16xf32>, vector<512x16xf32> -> vector<512x16xf32>
    %get3A_33 = arith.constant 0 : index
    %get3A_34 = arith.constant 0 : index
    %get3A_35 = vector.load %arg5[%get3A_33, %get3A_34] : memref<40x16xf32, #tpu.memory_space<vmem>>, vector<40x16xf32>
    %dot_general3A_36 = arith.constant dense<0.000000e+00> : vector<512x16xf32>
    %dot_general3A_37 = tpu.matmul %dot_general3A_27, %get3A_35, %dot_general3A_36 {dimension_numbers = #tpu.dot_dimension_numbers<[1], [0], [0], [1], [0, 0, 1, 1], [], []>, transpose_lhs_hint = false} : vector<512x40xf32>, vector<40x16xf32>, vector<512x16xf32> -> vector<512x16xf32>
    %broadcast_in_dim3A = arith.constant 0.000000e+00 : f32
    %broadcast_in_dim3A_38 = vector.broadcast %broadcast_in_dim3A : f32 to vector<512x8xf32>
    %broadcast_in_dim3A_39 = arith.constant 0.000000e+00 : f32
    %broadcast_in_dim3A_40 = vector.broadcast %broadcast_in_dim3A_39 : f32 to vector<512x64xf32>
    %concatenate3A = tpu.concatenate %dot_general3A_27, %broadcast_in_dim3A_38, %dot_general3A_32, %broadcast_in_dim3A_40 in 1 : vector<512x40xf32>, vector<512x8xf32>, vector<512x16xf32>, vector<512x64xf32> -> vector<512x128xf32>
    %swap3A = arith.constant 0 : index
    %swap3A_41 = arith.constant 0 : index
    %swap3A_42 = vector.load %arg6[%swap3A, %swap3A_41] : memref<512x128xf32, #tpu.memory_space<vmem>>, vector<512x128xf32>
    tpu.vector_store %arg6[%swap3A, %swap3A_41], %concatenate3A {strides = array<i32>} : memref<512x128xf32, #tpu.memory_space<vmem>>, vector<512x128xf32>,
    %broadcast_in_dim3A_43 = arith.constant 0.000000e+00 : f32
    %broadcast_in_dim3A_44 = vector.broadcast %broadcast_in_dim3A_43 : f32 to vector<512x112xf32>
    %concatenate3A_45 = tpu.concatenate %dot_general3A_37, %broadcast_in_dim3A_44 in 1 : vector<512x16xf32>, vector<512x112xf32> -> vector<512x128xf32>
    %swap3A_46 = arith.constant 0 : index
    %swap3A_47 = arith.constant 0 : index
    %swap3A_48 = vector.load %arg7[%swap3A_46, %swap3A_47] : memref<512x128xf32, #tpu.memory_space<vmem>>, vector<512x128xf32>
    tpu.vector_store %arg7[%swap3A_46, %swap3A_47], %concatenate3A_45 {strides = array<i32>} : memref<512x128xf32, #tpu.memory_space<vmem>>, vector<512x128xf32>,
    return
  }
  func.func @transform_0(%arg0: i32) -> (i32, i32, i32) {
    %c0_i32 = arith.constant 0 : i32
    %c0_i32_0 = arith.constant 0 : i32
    %c0_i32_1 = arith.constant 0 : i32
    return %c0_i32, %arg0, %c0_i32_0 : i32, i32, i32
  }
  func.func @transform_1(%arg0: i32) -> (i32, i32) {
    %c0_i32 = arith.constant 0 : i32
    %c0_i32_0 = arith.constant 0 : i32
    %c0_i32_1 = arith.constant 0 : i32
    return %c0_i32, %c0_i32_0 : i32, i32
  }
  func.func @transform_2(%arg0: i32) -> (i32, i32) {
    %c0_i32 = arith.constant 0 : i32
    %c0_i32_0 = arith.constant 0 : i32
    %c0_i32_1 = arith.constant 0 : i32
    return %c0_i32, %c0_i32_0 : i32, i32
  }
  func.func @transform_3(%arg0: i32) -> (i32, i32) {
    %c0_i32 = arith.constant 0 : i32
    %c0_i32_0 = arith.constant 0 : i32
    %c0_i32_1 = arith.constant 0 : i32
    return %c0_i32, %c0_i32_0 : i32, i32
  }
  func.func @transform_4(%arg0: i32) -> (i32, i32) {
    %c0_i32 = arith.constant 0 : i32
    %c0_i32_0 = arith.constant 0 : i32
    %c0_i32_1 = arith.constant 0 : i32
    return %c0_i32, %c0_i32_0 : i32, i32
  }
  func.func @transform_5(%arg0: i32) -> (i32, i32) {
    %c0_i32 = arith.constant 0 : i32
    %c0_i32_0 = arith.constant 0 : i32
    return %arg0, %c0_i32 : i32, i32
  }
  func.func @transform_6(%arg0: i32) -> (i32, i32) {
    %c0_i32 = arith.constant 0 : i32
    %c0_i32_0 = arith.constant 0 : i32
    return %arg0, %c0_i32 : i32, i32
  }
}

module attributes {stable_mosaic.version = 14 : i64} {
  func.func @_tc_combine2(%arg0: i32, %arg1: memref<2x512x128xf32, #tpu.memory_space<vmem>>, %arg2: memref<1x40xf32, #tpu.memory_space<vmem>>, %arg3: memref<512x40xf32, #tpu.memory_space<vmem>>) attributes {dimension_semantics = [#tpu.dimension_semantics<arbitrary>], iteration_bounds = array<i64: 20>, scalar_prefetch = 0 : i64, scratch_operands = 0 : i64, tpu.core_type = #tpu.core_type<tc>, window_params = [{transform_indices = @transform_0, window_bounds = array<i64: 2, 512, 128>}, {pipeline_mode = #tpu.pipeline_mode<synchronous>, transform_indices = @transform_1, window_bounds = array<i64: 1, 40>}, {transform_indices = @transform_2, window_bounds = array<i64: 512, 40>}]} {
    %get3A = arith.constant 0 : index
    %get3A_0 = arith.constant 0 : index
    %get3A_1 = arith.constant 0 : index
    %get3A_2 = vector.load %arg1[%get3A, %get3A_0, %get3A_1] : memref<2x512x128xf32, #tpu.memory_space<vmem>>, vector<1x512x128xf32>
    %get3A_3 = vector.shape_cast %get3A_2 : vector<1x512x128xf32> to vector<512x128xf32>
    %get3A_4 = arith.constant 1 : index
    %get3A_5 = arith.constant 0 : index
    %get3A_6 = arith.constant 0 : index
    %get3A_7 = vector.load %arg1[%get3A_4, %get3A_5, %get3A_6] : memref<2x512x128xf32, #tpu.memory_space<vmem>>, vector<1x512x128xf32>
    %get3A_8 = vector.shape_cast %get3A_7 : vector<1x512x128xf32> to vector<512x128xf32>
    %add3A = arith.addf %get3A_3, %get3A_8 : vector<512x128xf32>
    %slice3A = vector.extract_strided_slice %add3A {offsets = [0, 0], sizes = [512, 40], strides = [1, 1]} : vector<512x128xf32> to vector<512x40xf32>
    %slice3A_9 = vector.extract_strided_slice %add3A {offsets = [0, 48], sizes = [512, 1], strides = [1, 1]} : vector<512x128xf32> to vector<512x1xf32>
    %add3A_10 = arith.constant 1.000000e-16 : f32
    %add3A_11 = vector.broadcast %add3A_10 : f32 to vector<512x1xf32>
    %add3A_12 = arith.addf %slice3A_9, %add3A_11 : vector<512x1xf32>
    %div3A = vector.broadcast %add3A_12 : vector<512x1xf32> to vector<512x40xf32>
    %div3A_13 = arith.divf %slice3A, %div3A : vector<512x40xf32>
    %get3A_14 = arith.constant 0 : index
    %get3A_15 = arith.constant 0 : index
    %get3A_16 = vector.load %arg2[%get3A_14, %get3A_15] : memref<1x40xf32, #tpu.memory_space<vmem>>, vector<1x40xf32>
    %add3A_17 = vector.broadcast %get3A_16 : vector<1x40xf32> to vector<512x40xf32>
    %add3A_18 = arith.addf %div3A_13, %add3A_17 : vector<512x40xf32>
    %swap3A = arith.constant 0 : index
    %swap3A_19 = arith.constant 0 : index
    %swap3A_20 = vector.load %arg3[%swap3A, %swap3A_19] : memref<512x40xf32, #tpu.memory_space<vmem>>, vector<512x40xf32>
    tpu.vector_store %arg3[%swap3A, %swap3A_19], %add3A_18 {strides = array<i32>} : memref<512x40xf32, #tpu.memory_space<vmem>>, vector<512x40xf32>,
    return
  }
  func.func @transform_0(%arg0: i32) -> (i32, i32, i32) {
    %c0_i32 = arith.constant 0 : i32
    %c0_i32_0 = arith.constant 0 : i32
    %c0_i32_1 = arith.constant 0 : i32
    return %c0_i32, %arg0, %c0_i32_0 : i32, i32, i32
  }
  func.func @transform_1(%arg0: i32) -> (i32, i32) {
    %c0_i32 = arith.constant 0 : i32
    %c0_i32_0 = arith.constant 0 : i32
    %c0_i32_1 = arith.constant 0 : i32
    return %c0_i32, %c0_i32_0 : i32, i32
  }
  func.func @transform_2(%arg0: i32) -> (i32, i32) {
    %c0_i32 = arith.constant 0 : i32
    %c0_i32_0 = arith.constant 0 : i32
    return %arg0, %c0_i32 : i32, i32
  }
}

</mosaic_0001>

<sc_bundles>
// kernel: kernel.10.cloned.1.call-start
scs
__scs_entry_jumppad:
0x0: {  	(pc) =	sbr.rel $0x88, $3  }
0x1: {  	(tag) =	ssettag $0x0;
	lr =	simm.s32 $0x1  }
0x2: {  	[smem:$0x3F97] =	sst lr;
	_ =	strace $0xD0000000  }
0x3: {  	_ = 	snop  }
0x4: {  	_ = 	snop  }
0x5: {  	_ = 	snop  }
0x6: {  	_ = 	snop  }
0x7: {  	_ = 	snop  }
__scs_overlays_trampoline_lowered:
0x8: {  	[smem:$0x3FA6] =	sst s0  }
0x9: {  	[smem:$0x3FA7] =	sst s1  }
0xa: {  	[smem:$0x3FA8] =	sst s2  }
0xb: {  	[smem:$0x3FA9] =	sst s3  }
0xc: {  	[smem:$0x3FAA] =	sst s4  }
0xd: {  	[smem:$0x3FAB] =	sst s5  }
0xe: {  	[smem:$0x3FAC] =	sst s6  }
0xf: {  	[smem:$0x3FAD] =	sst s7  }
0x10: {  	[smem:$0x3FAE] =	sst s8  }
0x11: {  	[smem:$0x3FAF] =	sst s9;
	s0 =	simm.s32 @!p0 $0x0  }
0x12: {  	s1 =	sld [smem:$0x3F95];
	s0 =	simm.s32 @p0 $0x1  }
0x13: {  	[smem:$0x3FB0] =	sst s0;
	s0 =	simm.s32 @!p1 $0x0  }
0x14: {  	s2 =	sld [smem:$0x3F94];
	s0 =	simm.s32 @p1 $0x1  }
0x15: {  	[smem:$0x3FB1] =	sst s0;
	s0 =	simm.s32 @!p2 $0x0  }
0x16: {  	s3 =	sld [smem:$0x3FDB];
	s0 =	simm.s32 @p2 $0x1  }
0x17: {  	s4 =	simm.s32 $0x1BF5;
	[smem:$0x3FB3] =	sst s0  }
0x18: {  	s0 =	sld [smem:$0x3F96];
	_ =	swait.ge [sflag:s4], $0x0  }
0x19: {  	s7 =	sld [smem:$0x3F97]  }
0x1a: {  	s8 =	sadd.s32 $0xFFFFE003, lr  }
0x1b: {  	s9 =	sadd.s32 $0xFFFFFEF7, lr;
	s5 =	simm.s32 $0xFFFFFFFF;
	p2 =	slt.u32 s8, $0xFFFFF086  }
0x1c: {  	p1 =	slt.u32 s9, $0xF7A;
	s5 =	simm.s32 @!p2 $0x0  }
0x1d: {  	s5 =	simm.s32 @p1 $0x1;
	p0 =	seq.s32 s7, s2  }
0x1e: {  	s7 =	smul.u32 @!p0 $0xF7A, s2;
	p2 =	seq.s32 @!p0 s5, $0x0  }
0x1f: {  	s9 =	smul.u32 $0xF7A, s1;
	s8 =	simm.s32 @!p0 $0x1BF5;
	p2 =	por !p2, p0  }
0x20: {  	[sflag:s8] =	ssyncset.s32 @!p0 $0xFFFFF086;
	s6 =	sadd.s32 @!p0 s3, s7;
	s7 =	simm.s32 @!p0 $0x108  }
0x21: {  	s3 =	sadd.s32 s3, s9;
	s6 =	sadd.s32 @!p0 $0x88, s6;
	s7 =	simm.s32 @p2 $0x1082  }
0x22: {  	[simem:s7], [sflag:s8] =	dma.local @!p0 [hbm:s6], $0xF7A  }
0x23: {  	s9 =	sor.u32 $0xD0000000, s2;
	s6 =	simm.s32 $0x108;
	_ =	swait.ge @!p0 [sflag:s8], $0x0  }
0x24: {  	s3 =	sadd.s32 $0x88, s3;
	s6 =	simm.s32 @!p1 $0x1082;
	[sflag:s4] =	ssyncset.s32 $0xFFFFF086  }
0x25: {  	[simem:s6], [sflag:s4] =	dma.local [hbm:s3], $0xF7A  }
0x26: {  	[smem:$0x3F97] =	sst s1;
	(tag) =	ssettag s2;
	_ =	strace s9  }
0x27: {  	s1 =	sld [smem:$0x3FA7]  }
0x28: {  	s2 =	sld [smem:$0x3FA8]  }
0x29: {  	s4 =	sld [smem:$0x3FAA]  }
0x2a: {  	p0 =	seq.s32 s5, $0x0;
	s5 =	sld [smem:$0x3FAB]  }
0x2b: {  	s6 =	sld [smem:$0x3FAC]  }
0x2c: {  	s7 =	sld [smem:$0x3FAD]  }
0x2d: {  	s3 =	simm.s32 $0x108;
	s8 =	sld [smem:$0x3FAE]  }
0x2e: {  	s3 =	simm.s32 @!p0 $0x1082;
	s9 =	sld [smem:$0x3FAF]  }
0x2f: {  	lr =	sadd.s32 s0, s3;
	s0 =	sld [smem:$0x3FA6]  }
0x30: {  	s3 =	sld [smem:$0x3FA9]  }
0x31: {  	[smem:$0x3FB2] =	sst s10  }
0x32: {  	s10 =	sld [smem:$0x3FB0];
	_ =	sdelay $0x3  }
0x33: {  	p0 =	seq.s32 s10, $0x1;
	s10 =	sld [smem:$0x3FB2];
	_ =	sdelay $0x3  }
0x34: {  	[smem:$0x3FB2] =	sst s10  }
0x35: {  	s10 =	sld [smem:$0x3FB1];
	_ =	sdelay $0x3  }
0x36: {  	p1 =	seq.s32 s10, $0x1;
	s10 =	sld [smem:$0x3FB2];
	_ =	sdelay $0x3  }
0x37: {  	[smem:$0x3FB2] =	sst s10  }
0x38: {  	s10 =	sld [smem:$0x3FB3]  }
0x39: {  	_ = 	snop;
	(pc) =	sbr.ind lr, $3  }
0x3a: {  	_ = 	snop  }
0x3b: {  	_ = 	snop  }
0x3c: {  	p2 =	seq.s32 s10, $0x1;
	s10 =	sld [smem:$0x3FB2]  }
0x3d: {  	_ =	shalt  }
0x3e: {  	_ =	shalt  }
0x3f: {  	_ =	shalt  }
0x40: {  	_ =	shalt  }
0x41: {  	_ =	shalt  }
0x42: {  	_ =	shalt  }
0x43: {  	_ =	shalt  }
0x44: {  	_ =	shalt  }
0x45: {  	_ =	shalt  }
0x46: {  	_ =	shalt  }
0x47: {  	_ =	shalt  }
0x48: {  	_ =	shalt  }
0x49: {  	_ =	shalt  }
0x4a: {  	_ =	shalt  }
0x4b: {  	_ =	shalt  }
0x4c: {  	_ =	shalt  }
0x4d: {  	_ =	shalt  }
0x4e: {  	_ =	shalt  }
0x4f: {  	_ =	shalt  }
0x50: {  	_ =	shalt  }
0x51: {  	_ =	shalt  }
0x52: {  	_ =	shalt  }
0x53: {  	_ =	shalt  }
0x54: {  	_ =	shalt  }
0x55: {  	_ =	shalt  }
0x56: {  	_ =	shalt  }
0x57: {  	_ =	shalt  }
0x58: {  	_ =	shalt  }
0x59: {  	_ =	shalt  }
0x5a: {  	_ =	shalt  }
0x5b: {  	_ =	shalt  }
0x5c: {  	_ =	shalt  }
0x5d: {  	_ =	shalt  }
0x5e: {  	_ =	shalt  }
0x5f: {  	_ =	shalt  }
0x60: {  	_ =	shalt  }
0x61: {  	_ =	shalt  }
0x62: {  	_ =	shalt  }
0x63: {  	_ =	shalt  }
0x64: {  	_ =	shalt  }
0x65: {  	_ =	shalt  }
0x66: {  	_ =	shalt  }
0x67: {  	_ =	shalt  }
0x68: {  	_ =	shalt  }
0x69: {  	_ =	shalt  }
0x6a: {  	_ =	shalt  }
0x6b: {  	_ =	shalt  }
0x6c: {  	_ =	shalt  }
0x6d: {  	_ =	shalt  }
0x6e: {  	_ =	shalt  }
0x6f: {  	_ =	shalt  }
0x70: {  	_ =	shalt  }
0x71: {  	_ =	shalt  }
0x72: {  	_ =	shalt  }
0x73: {  	_ =	shalt  }
0x74: {  	_ =	shalt  }
0x75: {  	_ =	shalt  }
0x76: {  	_ =	shalt  }
0x77: {  	_ =	shalt  }
0x78: {  	_ =	shalt  }
0x79: {  	_ =	shalt  }
0x7a: {  	_ =	shalt  }
0x7b: {  	_ =	shalt  }
0x7c: {  	_ =	shalt  }
0x7d: {  	_ =	shalt  }
0x7e: {  	_ =	shalt  }
0x7f: {  	_ =	shalt  }
0x80: {  	_ =	shalt  }
0x81: {  	_ =	shalt  }
0x82: {  	_ =	shalt  }
0x83: {  	_ =	shalt  }
0x84: {  	_ =	shalt  }
0x85: {  	_ =	shalt  }
0x86: {  	_ =	shalt  }
0x87: {  	_ =	shalt  }
.Lfunc_end0:
.L_simem_size_0:
called_computation.1_lowered:
.L_overlay_start_0:
0x88: {  	s2 =	sld [smem:$0x3FD9]  }
0x89: {  	s3 =	sld [smem:$0x3FFE];
	_ =	sdelay $0x1  }
0x8a: {  	s1 =	srdreg.scid  }
0x8b: {  	s0 =	sand.u32 $0x1, s1  }
0x8c: {  	s17 =	sshll.u32 s0, $0xA;
	s2 =	sadd.s32 s3, s2  }
0x8d: {  	s2 =	sadd.s32 s2, s17  }
0x8e: {  	[smem:$0x3FBE] =	sst s2  }
0x8f: {  	_ = 	snop  }
0x90: {  	s2 =	sld [smem:$0x3FD0];
	(tm) =	ssettm $0x1  }
0x91: {  	s18 =	sld [smem:$0x3FFB];
	_ =	sdelay $0x3  }
0x92: {  	_ =	strace s18  }
0x93: {  	s3 =	sld [smem:$0x3FFC];
	_ =	sdelay $0x3  }
0x94: {  	_ =	strace s3  }
0x95: {  	s3 =	sld [smem:$0x3FFD];
	_ =	sdelay $0x3  }
0x96: {  	_ =	strace s3  }
0x97: {  	_ =	strace $0x8FFFFFFF  }
0x98: {  	s19 =	sld [smem:$0x3FDB];
	_ =	sdelay $0x1  }
0x99: {  	s4 =	simm.s32 $_scs_section_size  }
0x9a: {  	s5 =	simm.s32 $_size__tile_overlayer_lowered;
	s6 =	simm.s32 $_tile_overlayer_lowered  }
0x9b: {  	s22 =	simm.s32 $0x1BFF;
	s21 =	sshll.u32 s6, $0x1;
	s3 =	sadd.s32 s4, s19  }
0x9c: {  	s7 =	simm.s32 $0x0;
	s20 =	sshll.u32 s5, $0x1;
	s5 =	sadd.s32 s21, s3  }
0x9d: {  	[timem:s7], [sflag:s22] =	dma.local [hbm:s5], s20  }
0x9e: {  	_ =	swait.ge [sflag:s22], s20  }
0x9f: {  	s4 =	ssub.s32 $0x0, s20;
	[sflag:s22] =	ssyncset.done $0x0  }
0xa0: {  	[sflag:s22] =	ssyncadd.s32 s4;
	_ =	sdelay $0x1  }
0xa1: {  	s23 =	simm.s32 $0x1B8B  }
0xa2: {  	_ =	swait.ge [sflag:s23], $0x1  }
0xa3: {  	[sflag:s23] =	ssyncset.done $0x0  }
0xa4: {  	s25 =	simm.s32 $0x1B8E;
	s24 =	sld [smem:$0x3FFE];
	[sflag:s23] =	ssyncadd.s32 $0xFFFFFFFF  }
0xa5: {  	s26 =	simm.s32 $execute0_lowered;
	[smem:$0x3FD2] =	sst s25  }
0xa6: {  	s5 =	sshll.u32 s26, $0x1;
	_ =	strace $0x80000049;
	[dreg:$0x1] =	wrdreg $0xFFFFFFFF  }
0xa7: {  	s28 =	simm.s32 $_size_execute0_lowered;
	s3 =	sadd.s32 s3, s5;
	[dreg:$0x0] =	wrdreg $0x0  }
0xa8: {  	s5 =	sshll.u32 s28, $0x1;
	[dreg:$0x2] =	wrdreg s3  }
0xa9: {  	[dreg:$0x3] =	wrdreg s5  }
0xaa: {  	[dreg:$0x4] =	wrdreg $0xC0  }
0xab: {  	_ =	task [dreg:s7], $0x5FFFF  }
0xac: {  	[dreg:$0x1] =	wrdreg $0xFFFFFFFF  }
0xad: {  	[dreg:$0x0] =	wrdreg $0x60  }
0xae: {  	[dreg:$0x2] =	wrdreg s24  }
0xaf: {  	[dreg:$0x3] =	wrdreg s2  }
0xb0: {  	[dreg:$0x4] =	wrdreg $0xA2000  }
0xb1: {  	[dreg:$0x5] =	wrdreg $0x9  }
0xb2: {  	_ =	task.clear_ibuf [dreg:s7], $0x6FFFF;
	_ =	strace $0x90000049  }
0xb3: {  	s29 =	simm.s32 $0x9;
	_ =	strace $0x8000004B  }
0xb4: {  	_ =	swait.ge [sflag:s29], $0x1  }
0xb5: {  	[sflag:s29] =	ssyncadd.s32 $0xFFFFFFFF  }
0xb6: {  	_ =	strace $0x9000004B  }
0xb7: {  	_ =	sfence  }
0xb8: {  	s30 =	sld [smem:$0x0];
	_ =	sdelay $0x2  }
0xb9: {  	s31 =	sshll.u32 s1, $0xD;
	s1 =	sshrl.u32 s1, $0x2  }
0xba: {  	s3 =	sand.u32 $0x4000, s31;
	s1 =	sadd.s32 s1, s30  }
0xbb: {  	s0 =	sor.u32 s3, s0;
	s1 =	sshll.u32 s1, $0x11  }
0xbc: {  	s0 =	sor.u32 s1, s0  }
0xbd: {  	s0 =	sadd.s32 $0x8F2B, s0  }
0xbe: {  	[sflag:s0] =	ssyncadd.remote.s32 $0x1  }
0xbf: {  	_ =	sfence.sel $0xFFFF  }
0xc0: {  	[dreg:$0x0] =	wrdreg $0xFFFFFFFF;
	(pc) =	sbr.abs _section_cstart, $3  }
0xc1: {  	[dreg:$0x1] =	wrdreg $0xFFFFFFFF  }
0xc2: {  	_ =	task.clear_ibuf [dreg:s7], $0x2FFFF;
	_ =	strace $0x9FFFFFFF  }
0xc3: {  	(tm) =	ssettm $0x7FFFFFFF  }
tec
execute0_lowered:
.L_overlay_start_1:
0x0: {  	(tag) =	ssettag $0x1  }
0x1: {  	s0 =	rddreg [dreg:$0x0]  }
0x2: {  	s2 =	rddreg [dreg:$0x2]  }
0x3: {  	s3 =	simm.s32 $0x0;
	s1 =	srdreg.scid;
	s13 =	stileid.u32  }
0x4: {  	s28 =	simm.s32 $0x7A00;
	s29 =	simm.s32 $0x1;
	s30 =	simm.s32 $0x2  }
0x5: {  	s31 =	simm.s32 $0x3;
	[smem:$0x7FF] =	sst s3;
	s5 =	sadd.s32 $0x23200, s0  }
0x6: {  	s6 =	sadd.s32 $0x4B200, s0;
	s7 =	sadd.s32 $0x2A00, s0;
	s1 =	sand.u32 $0x1, s1  }
0x7: {  	s4 =	smul.u32 $0x2800, s13;
	s8 =	sadd.s32 $0x12E00, s0;
	s10 =	sshll.u32 s13, $0x1  }
0x8: {  	s17 =	smul.u32 $0x50000, s13;
	s23 =	sshll.u32 s13, $0x6;
	_ =	strace $0x8000004A  }
0x9: {  	s9 =	smul.u32 $0x28000, s1;
	s11 =	ssub.s32 $0x2, s1;
	s1 =	sor.u32 s1, s10  }
0xa: {  	s18 =	sshrl.u32 s11, $0x1;
	s12 =	smul.u32 $0x4100, s1;
	s20 =	sshll.u32 s1, $0x8  }
0xb: {  	s10 =	sshrl.u32 s17, $0x2;
	s4 =	sadd.s32 s4, s9;
	s19 =	ssub.s32 s11, s18  }
0xc: {  	s9 =	sand.u32 $0x300, s20;
	s22 =	sadd.s32 s10, s2;
	s10 =	smul.u32 $0x82, s1  }
0xd: {  	s20 =	simm.s32 $0x100;
	s0 =	sadd.s32 s4, s0;
	s21 =	sand.u32 $0x7FC00, s12  }
0xe: {  	s17 =	smax.u32 s19, $0x1;
	s18 =	sshrl.u32 s22, $0x3;
	s19 =	simm.s32 $0x7  }
0xf: {  	s22 =	simm.s32 $0x200;
	s4 =	simm.s32 $0x6;
	s11 =	sor.u32 s9, s21  }
0x10: {  	s9 =	sor.u32 $0x1C07, s23;
	s15 =	sor.u32 $0x1, s10;
	s0 =	sadd.s32 $0x73200, s0  }
0x11: {  	s21 =	simm.s32 $0x50;
	s24 =	sshrl.u32 s11, $0x3;
	[dreg:$0x8] =	wrdreg s0  }
.Ltmp0:
0x12: {  	s0 =	simm.s32 $0x4;
	s11 =	sadd.s32 s7, s24;
	(pc) =	sbr.rel .LBB2_1-.Ltmp0, $4  }
0x13: {  	s25 =	sadd.s32 s8, s24;
	s1 =	sor.u32 $0x10, s24;
	[dreg:$0x4] =	wrdreg s11  }
0x14: {  	s24 =	simm.s32 $0x80;
	[dreg:$0x5] =	wrdreg s25;
	s26 =	sadd.s32 s7, s1  }
0x15: {  	s1 =	sadd.s32 s8, s1;
	s25 =	simm.s32 $0x180;
	[dreg:$0x6] =	wrdreg s26  }
0x16: {  	[dreg:$0x7] =	wrdreg s1;
	s26 =	simm.s32 $0x2A00;
	s1 =	simm.s32 $0x0  }
.LBB2_8:
0x17: {  	s1 =	sadd.s32 $0x1, s1  }
0x18: {  	[bflag:$0x0] =	sbarrier.arrive $0xFFFF;
	p0 =	sne.s32 s1, s17  }
.Ltmp1:
0x19: {  	s11 =	rddreg [dreg:$0x8];
	(pc) =	sbr.rel @!p0 .LBB2_9-.Ltmp1, $4  }
0x1a: {  	[hbm:s11], [sflag:s9] =	dma.local [spmem:s18], $0x2800  }
0x1b: {  	_ =	swait.ge [sflag:s19], $0x2800  }
0x1c: {  	[sflag:s19] =	ssyncset.done $0x0  }
0x1d: {  	[sflag:s19] =	ssyncadd.s32 $0xFFFFD800  }
.LBB2_1:
0x1e: {  	s11 =	rddreg [dreg:$0x1]  }
0x1f: {  	[spmem:s18], [sflag:s9] =	dma.local [hbm:s11], $0x2800  }
0x20: {  	_ =	swait.ge [sflag:s19], $0x2800  }
0x21: {  	[sflag:s19] =	ssyncset.done $0x0  }
0x22: {  	s12 =	rddreg [dreg:$0x4];
	[sflag:s19] =	ssyncadd.s32 $0xFFFFD800  }
0x23: {  	[tilespmem:s3], [sflag:$0x7] =	stream.linear.gather [hbm4b:s12+s3], $0x80, $0x38;
	[tilespmem:$0x1E200] =	vst v63  }
0x24: {  	_ =	swait.ge [sflag:s19], $0x80  }
0x25: {  	[sflag:s19] =	ssyncset.done $0x0  }
0x26: {  	s13 =	rddreg [dreg:$0x5];
	[sflag:s19] =	ssyncadd.s32 $0xFFFFFF80  }
0x27: {  	[tilespmem:s20], [sflag:$0x7] =	stream.linear.gather [hbm4b:s13+s3], $0x80, $0x38;
	[tilespmem:$0x1E200] =	vst v63  }
0x28: {  	_ =	swait.ge [sflag:s19], $0x80  }
0x29: {  	[sflag:s19] =	ssyncset.done $0x0  }
0x2a: {  	[sflag:s19] =	ssyncadd.s32 $0xFFFFFF80  }
0x2b: {  	[tilespmem:s22], [sflag:$0x1] =	stream.indirect.gather [hbm4b:s5+s21], $0x80, s3, s21, $0xb8;
	[tilespmem:$0x1E200] =	vst v63  }
0x2c: {  	s14 =	simm.s32 $0x5200  }
0x2d: {  	[tilespmem:s14], [sflag:$0x2] =	stream.indirect.gather [hbm4b:s6+s21], $0x80, s20, s21, $0xb8;
	[tilespmem:$0x1E200] =	vst v63  }
0x2e: {  	s16 =	rddreg [dreg:$0x6]  }
0x2f: {  	[tilespmem:s24], [sflag:$0x7] =	stream.linear.gather [hbm4b:s16+s3], $0x80, $0x38;
	[tilespmem:$0x1E200] =	vst v63  }
0x30: {  	_ =	swait.ge [sflag:s19], $0x80  }
0x31: {  	[sflag:s19] =	ssyncset.done $0x0  }
0x32: {  	s23 =	rddreg [dreg:$0x7];
	[sflag:s19] =	ssyncadd.s32 $0xFFFFFF80  }
0x33: {  	[tilespmem:s25], [sflag:$0x7] =	stream.linear.gather [hbm4b:s23+s3], $0x80, $0x38;
	[tilespmem:$0x1E200] =	vst v63  }
0x34: {  	_ =	swait.ge [sflag:s19], $0x80  }
0x35: {  	[sflag:s19] =	ssyncset.done $0x0  }
0x36: {  	[sflag:s19] =	ssyncadd.s32 $0xFFFFFF80  }
0x37: {  	[tilespmem:s26], [sflag:$0x3] =	stream.indirect.gather [hbm4b:s5+s21], $0x80, s24, s21, $0xb8;
	[tilespmem:$0x1E200] =	vst v63  }
0x38: {  	_ = 	snop  }
0x39: {  	[tilespmem:s28], [sflag:$0x4] =	stream.indirect.gather [hbm4b:s6+s21], $0x80, s25, s21, $0xb8;
	[tilespmem:$0x1E200] =	vst v63  }
0x3a: {  	s23 =	simm.s32 $0x0;
	[bflag:$0x0] =	sbarrier.arrive $0xFFFF  }
.LBB2_2:
0x3b: {  	_ =	swait.ge [sflag:s29], $0x2800  }
0x3c: {  	[sflag:s29] =	ssyncset.done $0x0  }
0x3d: {  	[sflag:s29] =	ssyncadd.s32 $0xFFFFD800  }
0x3e: {  	_ =	swait.ge [sflag:s30], $0x2800  }
0x3f: {  	[sflag:s30] =	ssyncset.done $0x0  }
0x40: {  	s11 =	simm.s32 $0x0;
	[sflag:s30] =	ssyncadd.s32 $0xFFFFD800  }
0x41: {  	v0 =	vld [tilespmem:s11+$0x5200]  }
0x42: {  	v1 =	vld [tilespmem:s11+$0x230];
	_ =	sdelay $0x4  }
0x43: {  	v0 =	vadd.f32 v0, v1;
	_ =	sdelay $0x1  }
0x44: {  	v1 =	vmul.f32 $2.000000030e-01, v0;
	_ =	sdelay $0x1  }
0x45: {  	v0 =	vmax.f32 v0, v1  }
0x46: {  	v1 =	vmul.f32 $1.442695020e+00, v0;
	_ =	sdelay $0x1  }
0x47: {  	(erf) = vpow2.f32 v1;
	_ =	sdelay $0x3  }
0x48: {  	v2 =	vld [tilespmem:s11+$0x220]  }
0x49: {  	v0 =	vld [tilespmem:s11+$0x210]  }
0x4a: {  	v1 =	vld [tilespmem:s11+$0x200];
	_ =	sdelay $0x1  }
0x4b: {  	s12 =	simm.s32 $0x200;
	s13 =	simm.s32 $0x400  }
.LBB2_3:
0x4c: {  	p0 =	sne.s32 s13, $0x9E00;
	s14 =	sshra.s32 s12, $0x2;
	v3 =	vpop (erf);
	s12 =	smov.u32 s13  }
0x4d: {  	v4 =	vld [tilespmem:s14+$0x5200];
	v0 =	vmul.f32 v3, v0;
	v2 =	vmul.f32 v3, v2;
	[tilespmem:s11+$0x230] =	vst v3  }
0x4e: {  	v5 =	vld [tilespmem:s14+$0x230];
	v1 =	vmul.f32 v3, v1  }
0x4f: {  	[tilespmem:s11+$0x220] =	vst v2  }
0x50: {  	[tilespmem:s11+$0x210] =	vst v0  }
0x51: {  	[tilespmem:s11+$0x200] =	vst v1;
	s11 =	smov.u32 s14;
	_ =	sdelay $0x1  }
0x52: {  	v0 =	vadd.f32 v4, v5;
	_ =	sdelay $0x1  }
0x53: {  	v1 =	vmul.f32 $2.000000030e-01, v0;
	_ =	sdelay $0x1  }
0x54: {  	v0 =	vmax.f32 v0, v1  }
0x55: {  	v0 =	vmul.f32 $1.442695020e+00, v0;
	_ =	sdelay $0x1  }
0x56: {  	(erf) = vpow2.f32 v0;
	_ =	sdelay $0x3  }
.Ltmp2:
0x57: {  	v0 =	vld [tilespmem:s11+$0x210];
	(pc) =	sbr.rel @p0 .LBB2_3-.Ltmp2, $3  }
0x58: {  	v2 =	vld [tilespmem:s11+$0x220]  }
0x59: {  	v1 =	vld [tilespmem:s11+$0x200];
	_ =	sdelay $0x1  }
0x5a: {  	s13 =	sadd.s32 $0x200, s13  }
0x5b: {  	s12 =	sshra.s32 s12, $0x2;
	v3 =	vpop (erf)  }
0x5c: {  	v4 =	vld [tilespmem:s12+$0x5200];
	[tilespmem:s11+$0x230] =	vst v3  }
0x5d: {  	v5 =	vld [tilespmem:s12+$0x230];
	_ =	sdelay $0x4  }
0x5e: {  	v4 =	vadd.f32 v4, v5;
	_ =	sdelay $0x1  }
0x5f: {  	v5 =	vmul.f32 $2.000000030e-01, v4;
	_ =	sdelay $0x1  }
0x60: {  	v4 =	vmax.f32 v4, v5  }
0x61: {  	v4 =	vmul.f32 $1.442695020e+00, v4;
	_ =	sdelay $0x1  }
0x62: {  	v2 =	vmul.f32 v3, v2;
	(erf) = vpow2.f32 v4  }
0x63: {  	v0 =	vmul.f32 v3, v0  }
0x64: {  	v1 =	vmul.f32 v3, v1;
	[tilespmem:s11+$0x220] =	vst v2  }
0x65: {  	[tilespmem:s11+$0x210] =	vst v0  }
0x66: {  	[tilespmem:s11+$0x200] =	vst v1  }
0x67: {  	v0 =	vld [tilespmem:s12+$0x220]  }
0x68: {  	v1 =	vld [tilespmem:s12+$0x210]  }
0x69: {  	v2 =	vld [tilespmem:s12+$0x200];
	_ =	sdelay $0x1  }
0x6a: {  	v3 =	vpop (erf)  }
0x6b: {  	v0 =	vmul.f32 v3, v0  }
0x6c: {  	v1 =	vmul.f32 v3, v1;
	[tilespmem:s12+$0x230] =	vst v3  }
0x6d: {  	v2 =	vmul.f32 v3, v2;
	[tilespmem:s12+$0x220] =	vst v0  }
0x6e: {  	p0 =	seq.s32 s23, $0x40;
	s11 =	sshll.u32 s23, $0x1;
	[tilespmem:s12+$0x210] =	vst v1  }
0x6f: {  	[tilespmem:s12+$0x200] =	vst v2;
	s12 =	sadd.s32 @!p0 s10, s11  }
0x70: {  	[spmem:s2] =	stream.indirect.scatter.add.f32 [tilespmem:s22], [sflag:$0x7], $0x80, s20, s21, $0xb8;
	[tilespmem:$0x1E200] =	vst v63  }
0x71: {  	s12 =	sshll.u32 @!p0 s12, $0x4;
	_ =	swait.ge [sflag:s19], $0x2800  }
0x72: {  	s12 =	sadd.s32 @!p0 $0x20, s12;
	[sflag:s19] =	ssyncset.done $0x0  }
0x73: {  	s14 =	simm.s32 @!p0 $0x0;
	s13 =	sadd.s32 @!p0 s7, s12;
	[sflag:s19] =	ssyncadd.s32 $0xFFFFD800  }
0x74: {  	[tilespmem:s14], [sflag:$0x5] =	stream.linear.gather @!p0 [hbm4b:s13+s14], $0x80, $0x38;
	[tilespmem:$0x1E200] =	vst v63  }
0x75: {  	s12 =	sadd.s32 @!p0 s8, s12;
	s13 =	simm.s32 @!p0 $0x100  }
0x76: {  	[tilespmem:s13], [sflag:$0x5] =	stream.linear.gather @!p0 [hbm4b:s12+s14], $0x80, $0x38;
	[tilespmem:$0x1E200] =	vst v63  }
0x77: {  	s12 =	simm.s32 @!p0 $0x5  }
0x78: {  	_ =	swait.ge @!p0 [sflag:s12], $0x80  }
0x79: {  	[sflag:s12] =	ssyncset.done @!p0 $0x0  }
0x7a: {  	[sflag:s12] =	ssyncadd.s32 @!p0 $0xFFFFFF80  }
0x7b: {  	_ =	swait.ge @!p0 [sflag:s12], $0x80  }
0x7c: {  	[sflag:s12] =	ssyncset.done @!p0 $0x0  }
0x7d: {  	s16 =	simm.s32 @!p0 $0x200;
	[sflag:s12] =	ssyncadd.s32 @!p0 $0xFFFFFF80;
	s12 =	simm.s32 @!p0 $0x50  }
0x7e: {  	[tilespmem:s16], [sflag:$0x1] =	stream.indirect.gather @!p0 [hbm4b:s5+s12], $0x80, s14, s12, $0xb8;
	[tilespmem:$0x1E200] =	vst v63  }
0x7f: {  	s14 =	simm.s32 @!p0 $0x5200  }
0x80: {  	[tilespmem:s14], [sflag:$0x2] =	stream.indirect.gather @!p0 [hbm4b:s6+s12], $0x80, s13, s12, $0xb8;
	[tilespmem:$0x1E200] =	vst v63  }
0x81: {  	_ =	swait.ge [sflag:s31], $0x2800  }
0x82: {  	[sflag:s31] =	ssyncset.done $0x0  }
0x83: {  	[sflag:s31] =	ssyncadd.s32 $0xFFFFD800  }
0x84: {  	_ =	swait.ge [sflag:s0], $0x2800  }
0x85: {  	[sflag:s0] =	ssyncset.done $0x0  }
0x86: {  	s12 =	simm.s32 $0x0;
	[sflag:s0] =	ssyncadd.s32 $0xFFFFD800  }
0x87: {  	v0 =	vld [tilespmem:s12+$0x7A00]  }
0x88: {  	v1 =	vld [tilespmem:s12+$0x2A30];
	_ =	sdelay $0x4  }
0x89: {  	v0 =	vadd.f32 v0, v1;
	_ =	sdelay $0x1  }
0x8a: {  	v1 =	vmul.f32 $2.000000030e-01, v0;
	_ =	sdelay $0x1  }
0x8b: {  	v0 =	vmax.f32 v0, v1  }
0x8c: {  	v1 =	vmul.f32 $1.442695020e+00, v0;
	_ =	sdelay $0x1  }
0x8d: {  	(erf) = vpow2.f32 v1;
	_ =	sdelay $0x3  }
0x8e: {  	v2 =	vld [tilespmem:s12+$0x2A20]  }
0x8f: {  	v0 =	vld [tilespmem:s12+$0x2A10]  }
0x90: {  	v1 =	vld [tilespmem:s12+$0x2A00];
	_ =	sdelay $0x1  }
0x91: {  	s13 =	simm.s32 $0x200;
	s14 =	simm.s32 $0x400  }
.LBB2_5:
0x92: {  	p1 =	sne.s32 s14, $0x9E00;
	s16 =	sshra.s32 s13, $0x2;
	v3 =	vpop (erf);
	s13 =	smov.u32 s14  }
0x93: {  	v4 =	vld [tilespmem:s16+$0x7A00];
	v0 =	vmul.f32 v3, v0;
	v2 =	vmul.f32 v3, v2;
	[tilespmem:s12+$0x2A30] =	vst v3  }
0x94: {  	v5 =	vld [tilespmem:s16+$0x2A30];
	v1 =	vmul.f32 v3, v1  }
0x95: {  	[tilespmem:s12+$0x2A20] =	vst v2  }
0x96: {  	[tilespmem:s12+$0x2A10] =	vst v0  }
0x97: {  	[tilespmem:s12+$0x2A00] =	vst v1;
	s12 =	smov.u32 s16;
	_ =	sdelay $0x1  }
0x98: {  	v0 =	vadd.f32 v4, v5;
	_ =	sdelay $0x1  }
0x99: {  	v1 =	vmul.f32 $2.000000030e-01, v0;
	_ =	sdelay $0x1  }
0x9a: {  	v0 =	vmax.f32 v0, v1  }
0x9b: {  	v0 =	vmul.f32 $1.442695020e+00, v0;
	_ =	sdelay $0x1  }
0x9c: {  	(erf) = vpow2.f32 v0;
	_ =	sdelay $0x3  }
.Ltmp3:
0x9d: {  	v0 =	vld [tilespmem:s12+$0x2A10];
	(pc) =	sbr.rel @p1 .LBB2_5-.Ltmp3, $3  }
0x9e: {  	v2 =	vld [tilespmem:s12+$0x2A20]  }
0x9f: {  	v1 =	vld [tilespmem:s12+$0x2A00];
	_ =	sdelay $0x1  }
0xa0: {  	s14 =	sadd.s32 $0x200, s14  }
0xa1: {  	s13 =	sshra.s32 s13, $0x2;
	v3 =	vpop (erf)  }
0xa2: {  	v4 =	vld [tilespmem:s13+$0x7A00];
	[tilespmem:s12+$0x2A30] =	vst v3  }
0xa3: {  	v5 =	vld [tilespmem:s13+$0x2A30];
	_ =	sdelay $0x4  }
0xa4: {  	v4 =	vadd.f32 v4, v5;
	_ =	sdelay $0x1  }
0xa5: {  	v5 =	vmul.f32 $2.000000030e-01, v4;
	_ =	sdelay $0x1  }
0xa6: {  	v4 =	vmax.f32 v4, v5  }
0xa7: {  	v4 =	vmul.f32 $1.442695020e+00, v4;
	_ =	sdelay $0x1  }
0xa8: {  	v2 =	vmul.f32 v3, v2;
	(erf) = vpow2.f32 v4  }
0xa9: {  	v0 =	vmul.f32 v3, v0  }
0xaa: {  	v1 =	vmul.f32 v3, v1;
	[tilespmem:s12+$0x2A20] =	vst v2  }
0xab: {  	[tilespmem:s12+$0x2A10] =	vst v0  }
0xac: {  	[tilespmem:s12+$0x2A00] =	vst v1  }
0xad: {  	v0 =	vld [tilespmem:s13+$0x2A20]  }
0xae: {  	v1 =	vld [tilespmem:s13+$0x2A10]  }
0xaf: {  	v2 =	vld [tilespmem:s13+$0x2A00];
	_ =	sdelay $0x1  }
0xb0: {  	v63 =	vpop (erf)  }
0xb1: {  	v0 =	vmul.f32 v63, v0  }
0xb2: {  	v1 =	vmul.f32 v63, v1;
	[tilespmem:s13+$0x2A30] =	vst v63  }
0xb3: {  	v2 =	vmul.f32 v63, v2;
	[tilespmem:s13+$0x2A20] =	vst v0  }
0xb4: {  	[tilespmem:s13+$0x2A10] =	vst v1  }
.Ltmp4:
0xb5: {  	[tilespmem:s13+$0x2A00] =	vst v2;
	(pc) =	sbr.rel @p0 .LBB2_8-.Ltmp4, $4  }
0xb6: {  	[spmem:s2] =	stream.indirect.scatter.add.f32 [tilespmem:s26], [sflag:$0x7], $0x80, s25, s21, $0xb8;
	[tilespmem:$0x1E200] =	vst v63  }
0xb7: {  	_ =	swait.ge [sflag:s19], $0x2800  }
0xb8: {  	[sflag:s19] =	ssyncset.done $0x0  }
0xb9: {  	[sflag:s19] =	ssyncadd.s32 $0xFFFFD800  }
0xba: {  	s11 =	sadd.s32 s11, s15  }
0xbb: {  	s11 =	sshll.u32 s11, $0x4  }
0xbc: {  	s11 =	sadd.s32 $0x20, s11  }
0xbd: {  	s12 =	sadd.s32 s7, s11  }
0xbe: {  	[tilespmem:s24], [sflag:$0x6] =	stream.linear.gather [hbm4b:s12+s3], $0x80, $0x38;
	[tilespmem:$0x1E200] =	vst v63  }
0xbf: {  	s11 =	sadd.s32 s8, s11  }
0xc0: {  	[tilespmem:s25], [sflag:$0x6] =	stream.linear.gather [hbm4b:s11+s3], $0x80, $0x38;
	[tilespmem:$0x1E200] =	vst v63  }
0xc1: {  	_ =	swait.ge [sflag:s4], $0x80  }
0xc2: {  	[sflag:s4] =	ssyncset.done $0x0  }
0xc3: {  	[sflag:s4] =	ssyncadd.s32 $0xFFFFFF80  }
0xc4: {  	_ =	swait.ge [sflag:s4], $0x80  }
.Ltmp5:
0xc5: {  	[sflag:s4] =	ssyncset.done $0x0;
	(pc) =	sbr.rel .LBB2_2-.Ltmp5, $4  }
0xc6: {  	[sflag:s4] =	ssyncadd.s32 $0xFFFFFF80  }
0xc7: {  	[tilespmem:s26], [sflag:$0x3] =	stream.indirect.gather [hbm4b:s5+s21], $0x80, s24, s21, $0xb8;
	[tilespmem:$0x1E200] =	vst v63  }
0xc8: {  	s23 =	sadd.s32 $0x1, s23  }
0xc9: {  	[tilespmem:s28], [sflag:$0x4] =	stream.indirect.gather [hbm4b:s6+s21], $0x80, s25, s21, $0xb8;
	[tilespmem:$0x1E200] =	vst v63  }
.LBB2_9:
0xca: {  	_ =	sfence.sel $0x180000  }
0xcb: {  	[bflag:$0x0] =	sbarrier.arrive $0xFFFF  }
0xcc: {  	_ =	strace $0x9000004A  }
0xcd: {  	s0 =	stileid.u32;
	[bflag:$0x2] =	sbarrier.arrive $0xFFFF  }
0xce: {  	p0 =	sne.s32 s0, $0x0;
	s0 =	rddreg [dreg:$0x3]  }
0xcf: {  	s0 =	sadd.s32 @!p0 $0x100000, s0  }
0xd0: {  	[sflag:s0] =	ssyncadd.tile.s32 @!p0 $0x1;
	_ =	shalt  }
.Lfunc_end2:
_tile_overlayer_lowered:
.L_overlay_start_2:
0xd1: {  	(tag) =	ssettag $0x2  }
0xd2: {  	s0 =	rddreg [dreg:$0x0];
	s2 =	stileid.u32  }
0xd3: {  	s1 =	rddreg [dreg:$0x1];
	p0 =	sne.s32 s2, $0x0  }
0xd4: {  	s3 =	rddreg [dreg:$0x2];
	[bflag:$0x3] =	sbarrier.arrive $0xFFFF;
	s2 =	simm.s32 @!p0 $0x1C07  }
0xd5: {  	[timem:s3], [sflag:s2] =	dma.local @!p0 [hbm:s0], s1  }
0xd6: {  	s0 =	simm.s32 @!p0 $0x7  }
0xd7: {  	_ =	swait.ge @!p0 [sflag:s0], s1  }
0xd8: {  	s1 =	ssub.s32 @!p0 $0x0, s1;
	[sflag:s0] =	ssyncset.done @!p0 $0x0  }
0xd9: {  	[sflag:s0] =	ssyncadd.s32 @!p0 s1  }
0xda: {  	[bflag:$0x3] =	sbarrier.arrive $0xFFFF  }
0xdb: {  	_ =	shalt  }

// kernel: kernel.7.cloned.1.call-start
scs
__scs_entry_jumppad:
0x0: {  	(pc) =	sbr.rel $0x88, $3  }
0x1: {  	(tag) =	ssettag $0x0;
	lr =	simm.s32 $0x1  }
0x2: {  	[smem:$0x3F97] =	sst lr;
	_ =	strace $0xD0000000  }
0x3: {  	_ = 	snop  }
0x4: {  	_ = 	snop  }
0x5: {  	_ = 	snop  }
0x6: {  	_ = 	snop  }
0x7: {  	_ = 	snop  }
__scs_overlays_trampoline_lowered:
0x8: {  	[smem:$0x3FA6] =	sst s0  }
0x9: {  	[smem:$0x3FA7] =	sst s1  }
0xa: {  	[smem:$0x3FA8] =	sst s2  }
0xb: {  	[smem:$0x3FA9] =	sst s3  }
0xc: {  	[smem:$0x3FAA] =	sst s4  }
0xd: {  	[smem:$0x3FAB] =	sst s5  }
0xe: {  	[smem:$0x3FAC] =	sst s6  }
0xf: {  	[smem:$0x3FAD] =	sst s7  }
0x10: {  	[smem:$0x3FAE] =	sst s8  }
0x11: {  	[smem:$0x3FAF] =	sst s9;
	s0 =	simm.s32 @!p0 $0x0  }
0x12: {  	s1 =	sld [smem:$0x3F95];
	s0 =	simm.s32 @p0 $0x1  }
0x13: {  	[smem:$0x3FB0] =	sst s0;
	s0 =	simm.s32 @!p1 $0x0  }
0x14: {  	s2 =	sld [smem:$0x3F94];
	s0 =	simm.s32 @p1 $0x1  }
0x15: {  	[smem:$0x3FB1] =	sst s0;
	s0 =	simm.s32 @!p2 $0x0  }
0x16: {  	s3 =	sld [smem:$0x3FDB];
	s0 =	simm.s32 @p2 $0x1  }
0x17: {  	s4 =	simm.s32 $0x1BF5;
	[smem:$0x3FB3] =	sst s0  }
0x18: {  	s0 =	sld [smem:$0x3F96];
	_ =	swait.ge [sflag:s4], $0x0  }
0x19: {  	s7 =	sld [smem:$0x3F97]  }
0x1a: {  	s8 =	sadd.s32 $0xFFFFE003, lr  }
0x1b: {  	s9 =	sadd.s32 $0xFFFFFEF7, lr;
	s5 =	simm.s32 $0xFFFFFFFF;
	p2 =	slt.u32 s8, $0xFFFFF086  }
0x1c: {  	p1 =	slt.u32 s9, $0xF7A;
	s5 =	simm.s32 @!p2 $0x0  }
0x1d: {  	s5 =	simm.s32 @p1 $0x1;
	p0 =	seq.s32 s7, s2  }
0x1e: {  	s7 =	smul.u32 @!p0 $0xF7A, s2;
	p2 =	seq.s32 @!p0 s5, $0x0  }
0x1f: {  	s9 =	smul.u32 $0xF7A, s1;
	s8 =	simm.s32 @!p0 $0x1BF5;
	p2 =	por !p2, p0  }
0x20: {  	[sflag:s8] =	ssyncset.s32 @!p0 $0xFFFFF086;
	s6 =	sadd.s32 @!p0 s3, s7;
	s7 =	simm.s32 @!p0 $0x108  }
0x21: {  	s3 =	sadd.s32 s3, s9;
	s6 =	sadd.s32 @!p0 $0x88, s6;
	s7 =	simm.s32 @p2 $0x1082  }
0x22: {  	[simem:s7], [sflag:s8] =	dma.local @!p0 [hbm:s6], $0xF7A  }
0x23: {  	s9 =	sor.u32 $0xD0000000, s2;
	s6 =	simm.s32 $0x108;
	_ =	swait.ge @!p0 [sflag:s8], $0x0  }
0x24: {  	s3 =	sadd.s32 $0x88, s3;
	s6 =	simm.s32 @!p1 $0x1082;
	[sflag:s4] =	ssyncset.s32 $0xFFFFF086  }
0x25: {  	[simem:s6], [sflag:s4] =	dma.local [hbm:s3], $0xF7A  }
0x26: {  	[smem:$0x3F97] =	sst s1;
	(tag) =	ssettag s2;
	_ =	strace s9  }
0x27: {  	s1 =	sld [smem:$0x3FA7]  }
0x28: {  	s2 =	sld [smem:$0x3FA8]  }
0x29: {  	s4 =	sld [smem:$0x3FAA]  }
0x2a: {  	p0 =	seq.s32 s5, $0x0;
	s5 =	sld [smem:$0x3FAB]  }
0x2b: {  	s6 =	sld [smem:$0x3FAC]  }
0x2c: {  	s7 =	sld [smem:$0x3FAD]  }
0x2d: {  	s3 =	simm.s32 $0x108;
	s8 =	sld [smem:$0x3FAE]  }
0x2e: {  	s3 =	simm.s32 @!p0 $0x1082;
	s9 =	sld [smem:$0x3FAF]  }
0x2f: {  	lr =	sadd.s32 s0, s3;
	s0 =	sld [smem:$0x3FA6]  }
0x30: {  	s3 =	sld [smem:$0x3FA9]  }
0x31: {  	[smem:$0x3FB2] =	sst s10  }
0x32: {  	s10 =	sld [smem:$0x3FB0];
	_ =	sdelay $0x3  }
0x33: {  	p0 =	seq.s32 s10, $0x1;
	s10 =	sld [smem:$0x3FB2];
	_ =	sdelay $0x3  }
0x34: {  	[smem:$0x3FB2] =	sst s10  }
0x35: {  	s10 =	sld [smem:$0x3FB1];
	_ =	sdelay $0x3  }
0x36: {  	p1 =	seq.s32 s10, $0x1;
	s10 =	sld [smem:$0x3FB2];
	_ =	sdelay $0x3  }
0x37: {  	[smem:$0x3FB2] =	sst s10  }
0x38: {  	s10 =	sld [smem:$0x3FB3]  }
0x39: {  	_ = 	snop;
	(pc) =	sbr.ind lr, $3  }
0x3a: {  	_ = 	snop  }
0x3b: {  	_ = 	snop  }
0x3c: {  	p2 =	seq.s32 s10, $0x1;
	s10 =	sld [smem:$0x3FB2]  }
0x3d: {  	_ =	shalt  }
0x3e: {  	_ =	shalt  }
0x3f: {  	_ =	shalt  }
0x40: {  	_ =	shalt  }
0x41: {  	_ =	shalt  }
0x42: {  	_ =	shalt  }
0x43: {  	_ =	shalt  }
0x44: {  	_ =	shalt  }
0x45: {  	_ =	shalt  }
0x46: {  	_ =	shalt  }
0x47: {  	_ =	shalt  }
0x48: {  	_ =	shalt  }
0x49: {  	_ =	shalt  }
0x4a: {  	_ =	shalt  }
0x4b: {  	_ =	shalt  }
0x4c: {  	_ =	shalt  }
0x4d: {  	_ =	shalt  }
0x4e: {  	_ =	shalt  }
0x4f: {  	_ =	shalt  }
0x50: {  	_ =	shalt  }
0x51: {  	_ =	shalt  }
0x52: {  	_ =	shalt  }
0x53: {  	_ =	shalt  }
0x54: {  	_ =	shalt  }
0x55: {  	_ =	shalt  }
0x56: {  	_ =	shalt  }
0x57: {  	_ =	shalt  }
0x58: {  	_ =	shalt  }
0x59: {  	_ =	shalt  }
0x5a: {  	_ =	shalt  }
0x5b: {  	_ =	shalt  }
0x5c: {  	_ =	shalt  }
0x5d: {  	_ =	shalt  }
0x5e: {  	_ =	shalt  }
0x5f: {  	_ =	shalt  }
0x60: {  	_ =	shalt  }
0x61: {  	_ =	shalt  }
0x62: {  	_ =	shalt  }
0x63: {  	_ =	shalt  }
0x64: {  	_ =	shalt  }
0x65: {  	_ =	shalt  }
0x66: {  	_ =	shalt  }
0x67: {  	_ =	shalt  }
0x68: {  	_ =	shalt  }
0x69: {  	_ =	shalt  }
0x6a: {  	_ =	shalt  }
0x6b: {  	_ =	shalt  }
0x6c: {  	_ =	shalt  }
0x6d: {  	_ =	shalt  }
0x6e: {  	_ =	shalt  }
0x6f: {  	_ =	shalt  }
0x70: {  	_ =	shalt  }
0x71: {  	_ =	shalt  }
0x72: {  	_ =	shalt  }
0x73: {  	_ =	shalt  }
0x74: {  	_ =	shalt  }
0x75: {  	_ =	shalt  }
0x76: {  	_ =	shalt  }
0x77: {  	_ =	shalt  }
0x78: {  	_ =	shalt  }
0x79: {  	_ =	shalt  }
0x7a: {  	_ =	shalt  }
0x7b: {  	_ =	shalt  }
0x7c: {  	_ =	shalt  }
0x7d: {  	_ =	shalt  }
0x7e: {  	_ =	shalt  }
0x7f: {  	_ =	shalt  }
0x80: {  	_ =	shalt  }
0x81: {  	_ =	shalt  }
0x82: {  	_ =	shalt  }
0x83: {  	_ =	shalt  }
0x84: {  	_ =	shalt  }
0x85: {  	_ =	shalt  }
0x86: {  	_ =	shalt  }
0x87: {  	_ =	shalt  }
.Lfunc_end0:
.L_simem_size_0:
called_computation_lowered:
.L_overlay_start_0:
0x88: {  	s2 =	sld [smem:$0x3FD9]  }
0x89: {  	s3 =	sld [smem:$0x3FFE];
	_ =	sdelay $0x1  }
0x8a: {  	s1 =	srdreg.scid  }
0x8b: {  	s0 =	sand.u32 $0x1, s1  }
0x8c: {  	s17 =	sshll.u32 s0, $0xA;
	s2 =	sadd.s32 s3, s2  }
0x8d: {  	s2 =	sadd.s32 s2, s17  }
0x8e: {  	[smem:$0x3FBE] =	sst s2  }
0x8f: {  	_ = 	snop  }
0x90: {  	s2 =	sld [smem:$0x3FD0];
	(tm) =	ssettm $0x1  }
0x91: {  	s18 =	sld [smem:$0x3FFB];
	_ =	sdelay $0x3  }
0x92: {  	_ =	strace s18  }
0x93: {  	s3 =	sld [smem:$0x3FFC];
	_ =	sdelay $0x3  }
0x94: {  	_ =	strace s3  }
0x95: {  	s3 =	sld [smem:$0x3FFD];
	_ =	sdelay $0x3  }
0x96: {  	_ =	strace s3  }
0x97: {  	_ =	strace $0x8FFFFFFF  }
0x98: {  	s19 =	sld [smem:$0x3FDB];
	_ =	sdelay $0x1  }
0x99: {  	s4 =	simm.s32 $_scs_section_size  }
0x9a: {  	s5 =	simm.s32 $_size__tile_overlayer_lowered;
	s6 =	simm.s32 $_tile_overlayer_lowered  }
0x9b: {  	s22 =	simm.s32 $0x1BFF;
	s21 =	sshll.u32 s6, $0x1;
	s3 =	sadd.s32 s4, s19  }
0x9c: {  	s7 =	simm.s32 $0x0;
	s20 =	sshll.u32 s5, $0x1;
	s5 =	sadd.s32 s21, s3  }
0x9d: {  	[timem:s7], [sflag:s22] =	dma.local [hbm:s5], s20  }
0x9e: {  	_ =	swait.ge [sflag:s22], s20  }
0x9f: {  	s4 =	ssub.s32 $0x0, s20;
	[sflag:s22] =	ssyncset.done $0x0  }
0xa0: {  	[sflag:s22] =	ssyncadd.s32 s4;
	_ =	sdelay $0x1  }
0xa1: {  	s23 =	simm.s32 $0x1B8B  }
0xa2: {  	_ =	swait.ge [sflag:s23], $0x1  }
0xa3: {  	[sflag:s23] =	ssyncset.done $0x0  }
0xa4: {  	s25 =	simm.s32 $0x1B8E;
	s24 =	sld [smem:$0x3FFE];
	[sflag:s23] =	ssyncadd.s32 $0xFFFFFFFF  }
0xa5: {  	s26 =	simm.s32 $execute0_lowered;
	[smem:$0x3FD2] =	sst s25  }
0xa6: {  	s5 =	sshll.u32 s26, $0x1;
	_ =	strace $0x80000046;
	[dreg:$0x1] =	wrdreg $0xFFFFFFFF  }
0xa7: {  	s28 =	simm.s32 $_size_execute0_lowered;
	s3 =	sadd.s32 s3, s5;
	[dreg:$0x0] =	wrdreg $0x0  }
0xa8: {  	s5 =	sshll.u32 s28, $0x1;
	[dreg:$0x2] =	wrdreg s3  }
0xa9: {  	[dreg:$0x3] =	wrdreg s5  }
0xaa: {  	[dreg:$0x4] =	wrdreg $0xC0  }
0xab: {  	_ =	task [dreg:s7], $0x5FFFF  }
0xac: {  	[dreg:$0x1] =	wrdreg $0xFFFFFFFF  }
0xad: {  	[dreg:$0x0] =	wrdreg $0x60  }
0xae: {  	[dreg:$0x2] =	wrdreg s24  }
0xaf: {  	[dreg:$0x3] =	wrdreg s2  }
0xb0: {  	[dreg:$0x4] =	wrdreg $0xA2000  }
0xb1: {  	[dreg:$0x5] =	wrdreg $0x9  }
0xb2: {  	_ =	task.clear_ibuf [dreg:s7], $0x6FFFF;
	_ =	strace $0x90000046  }
0xb3: {  	s29 =	simm.s32 $0x9;
	_ =	strace $0x80000048  }
0xb4: {  	_ =	swait.ge [sflag:s29], $0x1  }
0xb5: {  	[sflag:s29] =	ssyncadd.s32 $0xFFFFFFFF  }
0xb6: {  	_ =	strace $0x90000048  }
0xb7: {  	_ =	sfence  }
0xb8: {  	s30 =	sld [smem:$0x0];
	_ =	sdelay $0x2  }
0xb9: {  	s31 =	sshll.u32 s1, $0xD;
	s1 =	sshrl.u32 s1, $0x2  }
0xba: {  	s3 =	sand.u32 $0x4000, s31;
	s1 =	sadd.s32 s1, s30  }
0xbb: {  	s0 =	sor.u32 s3, s0;
	s1 =	sshll.u32 s1, $0x11  }
0xbc: {  	s0 =	sor.u32 s1, s0  }
0xbd: {  	s0 =	sadd.s32 $0x8F2B, s0  }
0xbe: {  	[sflag:s0] =	ssyncadd.remote.s32 $0x1  }
0xbf: {  	_ =	sfence.sel $0xFFFF  }
0xc0: {  	[dreg:$0x0] =	wrdreg $0xFFFFFFFF;
	(pc) =	sbr.abs _section_cstart, $3  }
0xc1: {  	[dreg:$0x1] =	wrdreg $0xFFFFFFFF  }
0xc2: {  	_ =	task.clear_ibuf [dreg:s7], $0x2FFFF;
	_ =	strace $0x9FFFFFFF  }
0xc3: {  	(tm) =	ssettm $0x7FFFFFFF  }
tec
execute0_lowered:
.L_overlay_start_1:
0x0: {  	(tag) =	ssettag $0x1  }
0x1: {  	s0 =	rddreg [dreg:$0x0]  }
0x2: {  	s2 =	rddreg [dreg:$0x2]  }
0x3: {  	s3 =	simm.s32 $0x0;
	s1 =	srdreg.scid;
	s13 =	stileid.u32  }
0x4: {  	s28 =	simm.s32 $0x7A00;
	s29 =	simm.s32 $0x1;
	s30 =	simm.s32 $0x2  }
0x5: {  	s31 =	simm.s32 $0x3;
	[smem:$0x7FF] =	sst s3;
	s5 =	sadd.s32 $0x23200, s0  }
0x6: {  	s6 =	sadd.s32 $0x4B200, s0;
	s7 =	sadd.s32 $0x2A00, s0;
	s1 =	sand.u32 $0x1, s1  }
0x7: {  	s4 =	smul.u32 $0x2800, s13;
	s8 =	sadd.s32 $0x12E00, s0;
	s10 =	sshll.u32 s13, $0x1  }
0x8: {  	s17 =	smul.u32 $0x50000, s13;
	s23 =	sshll.u32 s13, $0x6;
	_ =	strace $0x80000047  }
0x9: {  	s9 =	smul.u32 $0x28000, s1;
	s11 =	ssub.s32 $0x2, s1;
	s1 =	sor.u32 s1, s10  }
0xa: {  	s18 =	sshrl.u32 s11, $0x1;
	s12 =	smul.u32 $0x4100, s1;
	s20 =	sshll.u32 s1, $0x8  }
0xb: {  	s10 =	sshrl.u32 s17, $0x2;
	s4 =	sadd.s32 s4, s9;
	s19 =	ssub.s32 s11, s18  }
0xc: {  	s9 =	sand.u32 $0x300, s20;
	s22 =	sadd.s32 s10, s2;
	s10 =	smul.u32 $0x82, s1  }
0xd: {  	s20 =	simm.s32 $0x100;
	s0 =	sadd.s32 s4, s0;
	s21 =	sand.u32 $0x7FC00, s12  }
0xe: {  	s17 =	smax.u32 s19, $0x1;
	s18 =	sshrl.u32 s22, $0x3;
	s19 =	simm.s32 $0x7  }
0xf: {  	s22 =	simm.s32 $0x200;
	s4 =	simm.s32 $0x6;
	s11 =	sor.u32 s9, s21  }
0x10: {  	s9 =	sor.u32 $0x1C07, s23;
	s15 =	sor.u32 $0x1, s10;
	s0 =	sadd.s32 $0x73200, s0  }
0x11: {  	s21 =	simm.s32 $0x50;
	s24 =	sshrl.u32 s11, $0x3;
	[dreg:$0x8] =	wrdreg s0  }
.Ltmp0:
0x12: {  	s0 =	simm.s32 $0x4;
	s11 =	sadd.s32 s7, s24;
	(pc) =	sbr.rel .LBB2_1-.Ltmp0, $4  }
0x13: {  	s25 =	sadd.s32 s8, s24;
	s1 =	sor.u32 $0x10, s24;
	[dreg:$0x4] =	wrdreg s11  }
0x14: {  	s24 =	simm.s32 $0x80;
	[dreg:$0x5] =	wrdreg s25;
	s26 =	sadd.s32 s7, s1  }
0x15: {  	s1 =	sadd.s32 s8, s1;
	s25 =	simm.s32 $0x180;
	[dreg:$0x6] =	wrdreg s26  }
0x16: {  	[dreg:$0x7] =	wrdreg s1;
	s26 =	simm.s32 $0x2A00;
	s1 =	simm.s32 $0x0  }
.LBB2_8:
0x17: {  	s1 =	sadd.s32 $0x1, s1  }
0x18: {  	[bflag:$0x0] =	sbarrier.arrive $0xFFFF;
	p0 =	sne.s32 s1, s17  }
.Ltmp1:
0x19: {  	s11 =	rddreg [dreg:$0x8];
	(pc) =	sbr.rel @!p0 .LBB2_9-.Ltmp1, $4  }
0x1a: {  	[hbm:s11], [sflag:s9] =	dma.local [spmem:s18], $0x2800  }
0x1b: {  	_ =	swait.ge [sflag:s19], $0x2800  }
0x1c: {  	[sflag:s19] =	ssyncset.done $0x0  }
0x1d: {  	[sflag:s19] =	ssyncadd.s32 $0xFFFFD800  }
.LBB2_1:
0x1e: {  	s11 =	rddreg [dreg:$0x1]  }
0x1f: {  	[spmem:s18], [sflag:s9] =	dma.local [hbm:s11], $0x2800  }
0x20: {  	_ =	swait.ge [sflag:s19], $0x2800  }
0x21: {  	[sflag:s19] =	ssyncset.done $0x0  }
0x22: {  	s12 =	rddreg [dreg:$0x4];
	[sflag:s19] =	ssyncadd.s32 $0xFFFFD800  }
0x23: {  	[tilespmem:s3], [sflag:$0x7] =	stream.linear.gather [hbm4b:s12+s3], $0x80, $0x38;
	[tilespmem:$0x1E200] =	vst v63  }
0x24: {  	_ =	swait.ge [sflag:s19], $0x80  }
0x25: {  	[sflag:s19] =	ssyncset.done $0x0  }
0x26: {  	s13 =	rddreg [dreg:$0x5];
	[sflag:s19] =	ssyncadd.s32 $0xFFFFFF80  }
0x27: {  	[tilespmem:s20], [sflag:$0x7] =	stream.linear.gather [hbm4b:s13+s3], $0x80, $0x38;
	[tilespmem:$0x1E200] =	vst v63  }
0x28: {  	_ =	swait.ge [sflag:s19], $0x80  }
0x29: {  	[sflag:s19] =	ssyncset.done $0x0  }
0x2a: {  	[sflag:s19] =	ssyncadd.s32 $0xFFFFFF80  }
0x2b: {  	[tilespmem:s22], [sflag:$0x1] =	stream.indirect.gather [hbm4b:s5+s21], $0x80, s3, s21, $0xb8;
	[tilespmem:$0x1E200] =	vst v63  }
0x2c: {  	s14 =	simm.s32 $0x5200  }
0x2d: {  	[tilespmem:s14], [sflag:$0x2] =	stream.indirect.gather [hbm4b:s6+s21], $0x80, s20, s21, $0xb8;
	[tilespmem:$0x1E200] =	vst v63  }
0x2e: {  	s16 =	rddreg [dreg:$0x6]  }
0x2f: {  	[tilespmem:s24], [sflag:$0x7] =	stream.linear.gather [hbm4b:s16+s3], $0x80, $0x38;
	[tilespmem:$0x1E200] =	vst v63  }
0x30: {  	_ =	swait.ge [sflag:s19], $0x80  }
0x31: {  	[sflag:s19] =	ssyncset.done $0x0  }
0x32: {  	s23 =	rddreg [dreg:$0x7];
	[sflag:s19] =	ssyncadd.s32 $0xFFFFFF80  }
0x33: {  	[tilespmem:s25], [sflag:$0x7] =	stream.linear.gather [hbm4b:s23+s3], $0x80, $0x38;
	[tilespmem:$0x1E200] =	vst v63  }
0x34: {  	_ =	swait.ge [sflag:s19], $0x80  }
0x35: {  	[sflag:s19] =	ssyncset.done $0x0  }
0x36: {  	[sflag:s19] =	ssyncadd.s32 $0xFFFFFF80  }
0x37: {  	[tilespmem:s26], [sflag:$0x3] =	stream.indirect.gather [hbm4b:s5+s21], $0x80, s24, s21, $0xb8;
	[tilespmem:$0x1E200] =	vst v63  }
0x38: {  	_ = 	snop  }
0x39: {  	[tilespmem:s28], [sflag:$0x4] =	stream.indirect.gather [hbm4b:s6+s21], $0x80, s25, s21, $0xb8;
	[tilespmem:$0x1E200] =	vst v63  }
0x3a: {  	s23 =	simm.s32 $0x0;
	[bflag:$0x0] =	sbarrier.arrive $0xFFFF  }
.LBB2_2:
0x3b: {  	_ =	swait.ge [sflag:s29], $0x2800  }
0x3c: {  	[sflag:s29] =	ssyncset.done $0x0  }
0x3d: {  	[sflag:s29] =	ssyncadd.s32 $0xFFFFD800  }
0x3e: {  	_ =	swait.ge [sflag:s30], $0x2800  }
0x3f: {  	[sflag:s30] =	ssyncset.done $0x0  }
0x40: {  	s11 =	simm.s32 $0x0;
	[sflag:s30] =	ssyncadd.s32 $0xFFFFD800  }
0x41: {  	v0 =	vld [tilespmem:s11+$0x5200]  }
0x42: {  	v2 =	vld [tilespmem:s11+$0x240]  }
0x43: {  	v1 =	vld [tilespmem:s11+$0x5210]  }
0x44: {  	v3 =	vld [tilespmem:s11+$0x5220]  }
0x45: {  	v4 =	vld [tilespmem:s11+$0x250]  }
0x46: {  	v5 =	vld [tilespmem:s11+$0x260]  }
0x47: {  	v0 =	vadd.f32 v0, v2;
	_ =	sdelay $0x1  }
0x48: {  	v2 =	vmul.f32 $2.000000030e-01, v0  }
0x49: {  	v6 =	vld [tilespmem:s11+$0x270];
	v1 =	vadd.f32 v1, v4  }
0x4a: {  	v3 =	vadd.f32 v3, v5;
	v0 =	vmax.f32 v0, v2;
	v2 =	vld [tilespmem:s11+$0x5230]  }
0x4b: {  	v4 =	vmul.f32 $2.000000030e-01, v1;
	v0 =	vmul.f32 $1.442695020e+00, v0  }
0x4c: {  	v5 =	vmul.f32 $2.000000030e-01, v3  }
0x4d: {  	v1 =	vmax.f32 v1, v4;
	(erf) = vpow2.f32 v0  }
0x4e: {  	v3 =	vmax.f32 v3, v5;
	v1 =	vmul.f32 $1.442695020e+00, v1  }
0x4f: {  	v3 =	vmul.f32 $1.442695020e+00, v3;
	v2 =	vadd.f32 v2, v6  }
0x50: {  	(erf) = vpow2.f32 v1  }
0x51: {  	(erf) = vpow2.f32 v3;
	v3 =	vmul.f32 $2.000000030e-01, v2;
	_ =	sdelay $0x1  }
0x52: {  	v2 =	vmax.f32 v2, v3  }
0x53: {  	v2 =	vmul.f32 $1.442695020e+00, v2;
	_ =	sdelay $0x1  }
0x54: {  	v9 =	vld [tilespmem:s11+$0x210];
	v10 =	vpop (erf);
	(erf) = vpow2.f32 v2  }
0x55: {  	v7 =	vld [tilespmem:s11+$0x220]  }
0x56: {  	v5 =	vld [tilespmem:s11+$0x230]  }
0x57: {  	s12 =	simm.s32 $0x80;
	v6 =	vld [tilespmem:s11+$0x200]  }
0x58: {  	v4 =	vld [tilespmem:s12+$0x5230]  }
0x59: {  	v0 =	vld [tilespmem:s12+$0x5200]  }
0x5a: {  	v1 =	vld [tilespmem:s12+$0x5210]  }
0x5b: {  	v3 =	vld [tilespmem:s12+$0x5220];
	[tilespmem:s11+$0x240] =	vst v10;
	v11 =	vpop (erf)  }
0x5c: {  	s13 =	simm.s32 $0x400;
	v2 =	vmul.f32 v10, v6;
	v8 =	vld [tilespmem:s12+$0x240];
	v6 =	vmul.f32 v11, v9;
	[tilespmem:s11+$0x250] =	vst v11;
	v9 =	vpop (erf)  }
.LBB2_3:
0x5d: {  	p0 =	sne.s32 s13, $0x9E00;
	v10 =	vld [tilespmem:s12+$0x250];
	v7 =	vmul.f32 v9, v7;
	[tilespmem:s11+$0x260] =	vst v9;
	v9 =	vpop (erf)  }
0x5e: {  	v11 =	vld [tilespmem:s12+$0x260];
	v5 =	vmul.f32 v9, v5;
	[tilespmem:s11+$0x270] =	vst v9  }
0x5f: {  	v9 =	vld [tilespmem:s12+$0x270];
	[tilespmem:s11+$0x220] =	vst v7  }
0x60: {  	[tilespmem:s11+$0x230] =	vst v5  }
0x61: {  	v0 =	vadd.f32 v0, v8;
	[tilespmem:s11+$0x210] =	vst v6  }
0x62: {  	v1 =	vadd.f32 v1, v10;
	[tilespmem:s11+$0x200] =	vst v2;
	s11 =	smov.u32 s12  }
0x63: {  	v2 =	vmul.f32 $2.000000030e-01, v0;
	v3 =	vadd.f32 v3, v11  }
0x64: {  	v5 =	vmul.f32 $2.000000030e-01, v1;
	v4 =	vadd.f32 v4, v9  }
0x65: {  	v0 =	vmax.f32 v0, v2;
	v2 =	vmul.f32 $2.000000030e-01, v3  }
0x66: {  	v0 =	vmul.f32 $1.442695020e+00, v0;
	v1 =	vmax.f32 v1, v5;
	v5 =	vmul.f32 $2.000000030e-01, v4  }
0x67: {  	v1 =	vmul.f32 $1.442695020e+00, v1;
	v2 =	vmax.f32 v3, v2  }
0x68: {  	v2 =	vmul.f32 $1.442695020e+00, v2;
	v3 =	vmax.f32 v4, v5;
	(erf) = vpow2.f32 v0  }
0x69: {  	v3 =	vmul.f32 $1.442695020e+00, v3;
	(erf) = vpow2.f32 v1  }
0x6a: {  	s12 =	sshra.s32 s13, $0x2;
	(erf) = vpow2.f32 v2  }
0x6b: {  	v0 =	vld [tilespmem:s12+$0x5200];
	(erf) = vpow2.f32 v3  }
0x6c: {  	v1 =	vld [tilespmem:s12+$0x5210]  }
0x6d: {  	v2 =	vld [tilespmem:s11+$0x200]  }
0x6e: {  	v6 =	vld [tilespmem:s11+$0x210]  }
.Ltmp2:
0x6f: {  	v7 =	vld [tilespmem:s11+$0x220];
	(pc) =	sbr.rel @p0 .LBB2_3-.Ltmp2, $4  }
0x70: {  	v5 =	vld [tilespmem:s11+$0x230]  }
0x71: {  	v3 =	vld [tilespmem:s12+$0x5220];
	v8 =	vpop (erf)  }
0x72: {  	v4 =	vld [tilespmem:s12+$0x5230];
	v2 =	vmul.f32 v8, v2;
	[tilespmem:s11+$0x240] =	vst v8;
	v9 =	vpop (erf)  }
0x73: {  	s13 =	sadd.s32 $0x200, s13;
	v8 =	vld [tilespmem:s12+$0x240];
	v6 =	vmul.f32 v9, v6;
	[tilespmem:s11+$0x250] =	vst v9;
	v9 =	vpop (erf)  }
0x74: {  	v10 =	vld [tilespmem:s12+$0x250];
	[tilespmem:s11+$0x260] =	vst v9  }
0x75: {  	v11 =	vpop (erf);
	v12 =	vld [tilespmem:s12+$0x260]  }
0x76: {  	[tilespmem:s11+$0x270] =	vst v11  }
0x77: {  	v13 =	vld [tilespmem:s12+$0x270]  }
0x78: {  	v0 =	vadd.f32 v0, v8  }
0x79: {  	v1 =	vadd.f32 v1, v10  }
0x7a: {  	v3 =	vadd.f32 v3, v12;
	v8 =	vmul.f32 $2.000000030e-01, v0  }
0x7b: {  	v10 =	vmul.f32 $2.000000030e-01, v1  }
0x7c: {  	v4 =	vadd.f32 v4, v13;
	v0 =	vmax.f32 v0, v8;
	v8 =	vmul.f32 $2.000000030e-01, v3  }
0x7d: {  	v7 =	vmul.f32 v9, v7;
	v0 =	vmul.f32 $1.442695020e+00, v0;
	v1 =	vmax.f32 v1, v10  }
0x7e: {  	v9 =	vmul.f32 $2.000000030e-01, v4;
	v1 =	vmul.f32 $1.442695020e+00, v1;
	v3 =	vmax.f32 v3, v8  }
0x7f: {  	v3 =	vmul.f32 $1.442695020e+00, v3;
	(erf) = vpow2.f32 v0  }
0x80: {  	v4 =	vmax.f32 v4, v9;
	(erf) = vpow2.f32 v1  }
0x81: {  	[tilespmem:s11+$0x220] =	vst v7;
	v0 =	vmul.f32 $1.442695020e+00, v4;
	(erf) = vpow2.f32 v3  }
0x82: {  	v5 =	vmul.f32 v11, v5;
	[tilespmem:s11+$0x210] =	vst v6  }
0x83: {  	[tilespmem:s11+$0x200] =	vst v2;
	(erf) = vpow2.f32 v0  }
0x84: {  	[tilespmem:s11+$0x230] =	vst v5  }
0x85: {  	v0 =	vld [tilespmem:s12+$0x200]  }
0x86: {  	v1 =	vld [tilespmem:s12+$0x220]  }
0x87: {  	v3 =	vld [tilespmem:s12+$0x210]  }
0x88: {  	v4 =	vpop (erf)  }
0x89: {  	v2 =	vld [tilespmem:s12+$0x230];
	[tilespmem:s12+$0x240] =	vst v4;
	v5 =	vpop (erf)  }
0x8a: {  	v0 =	vmul.f32 v4, v0;
	[tilespmem:s12+$0x250] =	vst v5;
	v6 =	vpop (erf)  }
0x8b: {  	[tilespmem:s12+$0x260] =	vst v6  }
0x8c: {  	v3 =	vmul.f32 v5, v3;
	v1 =	vmul.f32 v6, v1;
	v6 =	vpop (erf);
	[tilespmem:s12+$0x200] =	vst v0  }
0x8d: {  	[tilespmem:s12+$0x270] =	vst v6  }
0x8e: {  	v2 =	vmul.f32 v6, v2;
	[tilespmem:s12+$0x210] =	vst v3  }
0x8f: {  	p0 =	seq.s32 s23, $0x40;
	s11 =	sshll.u32 s23, $0x1;
	[tilespmem:s12+$0x220] =	vst v1  }
0x90: {  	[tilespmem:s12+$0x230] =	vst v2;
	s12 =	sadd.s32 @!p0 s10, s11  }
0x91: {  	[spmem:s2] =	stream.indirect.scatter.add.f32 [tilespmem:s22], [sflag:$0x7], $0x80, s20, s21, $0xb8;
	[tilespmem:$0x1E200] =	vst v63  }
0x92: {  	s12 =	sshll.u32 @!p0 s12, $0x4;
	_ =	swait.ge [sflag:s19], $0x2800  }
0x93: {  	s12 =	sadd.s32 @!p0 $0x20, s12;
	[sflag:s19] =	ssyncset.done $0x0  }
0x94: {  	s14 =	simm.s32 @!p0 $0x0;
	s13 =	sadd.s32 @!p0 s7, s12;
	[sflag:s19] =	ssyncadd.s32 $0xFFFFD800  }
0x95: {  	[tilespmem:s14], [sflag:$0x5] =	stream.linear.gather @!p0 [hbm4b:s13+s14], $0x80, $0x38;
	[tilespmem:$0x1E200] =	vst v63  }
0x96: {  	s12 =	sadd.s32 @!p0 s8, s12;
	s13 =	simm.s32 @!p0 $0x100  }
0x97: {  	[tilespmem:s13], [sflag:$0x5] =	stream.linear.gather @!p0 [hbm4b:s12+s14], $0x80, $0x38;
	[tilespmem:$0x1E200] =	vst v63  }
0x98: {  	s12 =	simm.s32 @!p0 $0x5  }
0x99: {  	_ =	swait.ge @!p0 [sflag:s12], $0x80  }
0x9a: {  	[sflag:s12] =	ssyncset.done @!p0 $0x0  }
0x9b: {  	[sflag:s12] =	ssyncadd.s32 @!p0 $0xFFFFFF80  }
0x9c: {  	_ =	swait.ge @!p0 [sflag:s12], $0x80  }
0x9d: {  	[sflag:s12] =	ssyncset.done @!p0 $0x0  }
0x9e: {  	s16 =	simm.s32 @!p0 $0x200;
	[sflag:s12] =	ssyncadd.s32 @!p0 $0xFFFFFF80;
	s12 =	simm.s32 @!p0 $0x50  }
0x9f: {  	[tilespmem:s16], [sflag:$0x1] =	stream.indirect.gather @!p0 [hbm4b:s5+s12], $0x80, s14, s12, $0xb8;
	[tilespmem:$0x1E200] =	vst v63  }
0xa0: {  	s14 =	simm.s32 @!p0 $0x5200  }
0xa1: {  	[tilespmem:s14], [sflag:$0x2] =	stream.indirect.gather @!p0 [hbm4b:s6+s12], $0x80, s13, s12, $0xb8;
	[tilespmem:$0x1E200] =	vst v63  }
0xa2: {  	_ =	swait.ge [sflag:s31], $0x2800  }
0xa3: {  	[sflag:s31] =	ssyncset.done $0x0  }
0xa4: {  	[sflag:s31] =	ssyncadd.s32 $0xFFFFD800  }
0xa5: {  	_ =	swait.ge [sflag:s0], $0x2800  }
0xa6: {  	[sflag:s0] =	ssyncset.done $0x0  }
0xa7: {  	s12 =	simm.s32 $0x0;
	[sflag:s0] =	ssyncadd.s32 $0xFFFFD800  }
0xa8: {  	v0 =	vld [tilespmem:s12+$0x7A00]  }
0xa9: {  	v2 =	vld [tilespmem:s12+$0x2A40]  }
0xaa: {  	v1 =	vld [tilespmem:s12+$0x7A10]  }
0xab: {  	v3 =	vld [tilespmem:s12+$0x7A20]  }
0xac: {  	v4 =	vld [tilespmem:s12+$0x2A50]  }
0xad: {  	v5 =	vld [tilespmem:s12+$0x2A60]  }
0xae: {  	v0 =	vadd.f32 v0, v2;
	_ =	sdelay $0x1  }
0xaf: {  	v2 =	vmul.f32 $2.000000030e-01, v0  }
0xb0: {  	v6 =	vld [tilespmem:s12+$0x2A70];
	v1 =	vadd.f32 v1, v4  }
0xb1: {  	v3 =	vadd.f32 v3, v5;
	v0 =	vmax.f32 v0, v2;
	v2 =	vld [tilespmem:s12+$0x7A30]  }
0xb2: {  	v4 =	vmul.f32 $2.000000030e-01, v1;
	v0 =	vmul.f32 $1.442695020e+00, v0  }
0xb3: {  	v5 =	vmul.f32 $2.000000030e-01, v3  }
0xb4: {  	v1 =	vmax.f32 v1, v4;
	(erf) = vpow2.f32 v0  }
0xb5: {  	v3 =	vmax.f32 v3, v5;
	v1 =	vmul.f32 $1.442695020e+00, v1  }
0xb6: {  	v3 =	vmul.f32 $1.442695020e+00, v3;
	v2 =	vadd.f32 v2, v6  }
0xb7: {  	(erf) = vpow2.f32 v1  }
0xb8: {  	(erf) = vpow2.f32 v3;
	v3 =	vmul.f32 $2.000000030e-01, v2;
	_ =	sdelay $0x1  }
0xb9: {  	v2 =	vmax.f32 v2, v3  }
0xba: {  	v2 =	vmul.f32 $1.442695020e+00, v2;
	_ =	sdelay $0x1  }
0xbb: {  	v9 =	vld [tilespmem:s12+$0x2A10];
	v10 =	vpop (erf);
	(erf) = vpow2.f32 v2  }
0xbc: {  	v7 =	vld [tilespmem:s12+$0x2A20]  }
0xbd: {  	v5 =	vld [tilespmem:s12+$0x2A30]  }
0xbe: {  	s13 =	simm.s32 $0x80;
	v6 =	vld [tilespmem:s12+$0x2A00]  }
0xbf: {  	v4 =	vld [tilespmem:s13+$0x7A30]  }
0xc0: {  	v0 =	vld [tilespmem:s13+$0x7A00]  }
0xc1: {  	v1 =	vld [tilespmem:s13+$0x7A10]  }
0xc2: {  	v3 =	vld [tilespmem:s13+$0x7A20];
	[tilespmem:s12+$0x2A40] =	vst v10;
	v11 =	vpop (erf)  }
0xc3: {  	s14 =	simm.s32 $0x400;
	v2 =	vmul.f32 v10, v6;
	v8 =	vld [tilespmem:s13+$0x2A40];
	v6 =	vmul.f32 v11, v9;
	[tilespmem:s12+$0x2A50] =	vst v11;
	v9 =	vpop (erf)  }
.LBB2_5:
0xc4: {  	p1 =	sne.s32 s14, $0x9E00;
	v10 =	vld [tilespmem:s13+$0x2A50];
	v7 =	vmul.f32 v9, v7;
	[tilespmem:s12+$0x2A60] =	vst v9;
	v9 =	vpop (erf)  }
0xc5: {  	v11 =	vld [tilespmem:s13+$0x2A60];
	v5 =	vmul.f32 v9, v5;
	[tilespmem:s12+$0x2A70] =	vst v9  }
0xc6: {  	v9 =	vld [tilespmem:s13+$0x2A70];
	[tilespmem:s12+$0x2A20] =	vst v7  }
0xc7: {  	[tilespmem:s12+$0x2A30] =	vst v5  }
0xc8: {  	v0 =	vadd.f32 v0, v8;
	[tilespmem:s12+$0x2A10] =	vst v6  }
0xc9: {  	v1 =	vadd.f32 v1, v10;
	[tilespmem:s12+$0x2A00] =	vst v2;
	s12 =	smov.u32 s13  }
0xca: {  	v2 =	vmul.f32 $2.000000030e-01, v0;
	v3 =	vadd.f32 v3, v11  }
0xcb: {  	v5 =	vmul.f32 $2.000000030e-01, v1;
	v4 =	vadd.f32 v4, v9  }
0xcc: {  	v0 =	vmax.f32 v0, v2;
	v2 =	vmul.f32 $2.000000030e-01, v3  }
0xcd: {  	v0 =	vmul.f32 $1.442695020e+00, v0;
	v1 =	vmax.f32 v1, v5;
	v5 =	vmul.f32 $2.000000030e-01, v4  }
0xce: {  	v1 =	vmul.f32 $1.442695020e+00, v1;
	v2 =	vmax.f32 v3, v2  }
0xcf: {  	v2 =	vmul.f32 $1.442695020e+00, v2;
	v3 =	vmax.f32 v4, v5;
	(erf) = vpow2.f32 v0  }
0xd0: {  	v3 =	vmul.f32 $1.442695020e+00, v3;
	(erf) = vpow2.f32 v1  }
0xd1: {  	s13 =	sshra.s32 s14, $0x2;
	(erf) = vpow2.f32 v2  }
0xd2: {  	v0 =	vld [tilespmem:s13+$0x7A00];
	(erf) = vpow2.f32 v3  }
0xd3: {  	v1 =	vld [tilespmem:s13+$0x7A10]  }
0xd4: {  	v2 =	vld [tilespmem:s12+$0x2A00]  }
0xd5: {  	v6 =	vld [tilespmem:s12+$0x2A10]  }
.Ltmp3:
0xd6: {  	v7 =	vld [tilespmem:s12+$0x2A20];
	(pc) =	sbr.rel @p1 .LBB2_5-.Ltmp3, $4  }
0xd7: {  	v5 =	vld [tilespmem:s12+$0x2A30]  }
0xd8: {  	v3 =	vld [tilespmem:s13+$0x7A20];
	v8 =	vpop (erf)  }
0xd9: {  	v4 =	vld [tilespmem:s13+$0x7A30];
	v2 =	vmul.f32 v8, v2;
	[tilespmem:s12+$0x2A40] =	vst v8;
	v9 =	vpop (erf)  }
0xda: {  	s14 =	sadd.s32 $0x200, s14;
	v8 =	vld [tilespmem:s13+$0x2A40];
	v6 =	vmul.f32 v9, v6;
	[tilespmem:s12+$0x2A50] =	vst v9;
	v9 =	vpop (erf)  }
0xdb: {  	v10 =	vld [tilespmem:s13+$0x2A50];
	[tilespmem:s12+$0x2A60] =	vst v9  }
0xdc: {  	v11 =	vpop (erf);
	v12 =	vld [tilespmem:s13+$0x2A60]  }
0xdd: {  	[tilespmem:s12+$0x2A70] =	vst v11  }
0xde: {  	v13 =	vld [tilespmem:s13+$0x2A70]  }
0xdf: {  	v0 =	vadd.f32 v0, v8  }
0xe0: {  	v1 =	vadd.f32 v1, v10  }
0xe1: {  	v3 =	vadd.f32 v3, v12;
	v8 =	vmul.f32 $2.000000030e-01, v0  }
0xe2: {  	v10 =	vmul.f32 $2.000000030e-01, v1  }
0xe3: {  	v4 =	vadd.f32 v4, v13;
	v0 =	vmax.f32 v0, v8;
	v54 =	vmul.f32 $2.000000030e-01, v3  }
0xe4: {  	v7 =	vmul.f32 v9, v7;
	v0 =	vmul.f32 $1.442695020e+00, v0;
	v1 =	vmax.f32 v1, v10  }
0xe5: {  	v55 =	vmul.f32 $2.000000030e-01, v4;
	v1 =	vmul.f32 $1.442695020e+00, v1;
	v3 =	vmax.f32 v3, v54  }
0xe6: {  	v3 =	vmul.f32 $1.442695020e+00, v3;
	(erf) = vpow2.f32 v0  }
0xe7: {  	v4 =	vmax.f32 v4, v55;
	(erf) = vpow2.f32 v1  }
0xe8: {  	[tilespmem:s12+$0x2A20] =	vst v7;
	v56 =	vmul.f32 $1.442695020e+00, v4;
	(erf) = vpow2.f32 v3  }
0xe9: {  	v5 =	vmul.f32 v11, v5;
	[tilespmem:s12+$0x2A10] =	vst v6  }
0xea: {  	[tilespmem:s12+$0x2A00] =	vst v2;
	(erf) = vpow2.f32 v56  }
0xeb: {  	[tilespmem:s12+$0x2A30] =	vst v5  }
0xec: {  	v57 =	vld [tilespmem:s13+$0x2A00];
	_ =	sdelay $0x1  }
0xed: {  	v59 =	vld [tilespmem:s13+$0x2A10]  }
0xee: {  	v58 =	vld [tilespmem:s13+$0x2A20];
	v60 =	vpop (erf)  }
0xef: {  	v2 =	vld [tilespmem:s13+$0x2A30];
	[tilespmem:s13+$0x2A40] =	vst v60;
	v61 =	vpop (erf)  }
0xf0: {  	v0 =	vmul.f32 v60, v57;
	[tilespmem:s13+$0x2A50] =	vst v61;
	v62 =	vpop (erf)  }
0xf1: {  	[tilespmem:s13+$0x2A60] =	vst v62  }
0xf2: {  	v3 =	vmul.f32 v61, v59;
	v63 =	vpop (erf);
	[tilespmem:s13+$0x2A00] =	vst v0  }
0xf3: {  	v1 =	vmul.f32 v62, v58;
	[tilespmem:s13+$0x2A70] =	vst v63  }
0xf4: {  	v2 =	vmul.f32 v63, v2;
	[tilespmem:s13+$0x2A10] =	vst v3  }
0xf5: {  	[tilespmem:s13+$0x2A20] =	vst v1  }
.Ltmp4:
0xf6: {  	[tilespmem:s13+$0x2A30] =	vst v2;
	(pc) =	sbr.rel @p0 .LBB2_8-.Ltmp4, $4  }
0xf7: {  	[spmem:s2] =	stream.indirect.scatter.add.f32 [tilespmem:s26], [sflag:$0x7], $0x80, s25, s21, $0xb8;
	[tilespmem:$0x1E200] =	vst v63  }
0xf8: {  	_ =	swait.ge [sflag:s19], $0x2800  }
0xf9: {  	[sflag:s19] =	ssyncset.done $0x0  }
0xfa: {  	[sflag:s19] =	ssyncadd.s32 $0xFFFFD800  }
0xfb: {  	s11 =	sadd.s32 s11, s15  }
0xfc: {  	s11 =	sshll.u32 s11, $0x4  }
0xfd: {  	s11 =	sadd.s32 $0x20, s11  }
0xfe: {  	s12 =	sadd.s32 s7, s11  }
0xff: {  	[tilespmem:s24], [sflag:$0x6] =	stream.linear.gather [hbm4b:s12+s3], $0x80, $0x38;
	[tilespmem:$0x1E200] =	vst v63  }
0x100: {  	s11 =	sadd.s32 s8, s11  }
0x101: {  	[tilespmem:s25], [sflag:$0x6] =	stream.linear.gather [hbm4b:s11+s3], $0x80, $0x38;
	[tilespmem:$0x1E200] =	vst v63  }
0x102: {  	_ =	swait.ge [sflag:s4], $0x80  }
0x103: {  	[sflag:s4] =	ssyncset.done $0x0  }
0x104: {  	[sflag:s4] =	ssyncadd.s32 $0xFFFFFF80  }
0x105: {  	_ =	swait.ge [sflag:s4], $0x80  }
.Ltmp5:
0x106: {  	[sflag:s4] =	ssyncset.done $0x0;
	(pc) =	sbr.rel .LBB2_2-.Ltmp5, $4  }
0x107: {  	[sflag:s4] =	ssyncadd.s32 $0xFFFFFF80  }
0x108: {  	[tilespmem:s26], [sflag:$0x3] =	stream.indirect.gather [hbm4b:s5+s21], $0x80, s24, s21, $0xb8;
	[tilespmem:$0x1E200] =	vst v63  }
0x109: {  	s23 =	sadd.s32 $0x1, s23  }
0x10a: {  	[tilespmem:s28], [sflag:$0x4] =	stream.indirect.gather [hbm4b:s6+s21], $0x80, s25, s21, $0xb8;
	[tilespmem:$0x1E200] =	vst v63  }
.LBB2_9:
0x10b: {  	_ =	sfence.sel $0x180000  }
0x10c: {  	[bflag:$0x0] =	sbarrier.arrive $0xFFFF  }
0x10d: {  	_ =	strace $0x90000047  }
0x10e: {  	s0 =	stileid.u32;
	[bflag:$0x2] =	sbarrier.arrive $0xFFFF  }
0x10f: {  	p0 =	sne.s32 s0, $0x0;
	s0 =	rddreg [dreg:$0x3]  }
0x110: {  	s0 =	sadd.s32 @!p0 $0x100000, s0  }
0x111: {  	[sflag:s0] =	ssyncadd.tile.s32 @!p0 $0x1;
	_ =	shalt  }
.Lfunc_end2:
_tile_overlayer_lowered:
.L_overlay_start_2:
0x112: {  	(tag) =	ssettag $0x2  }
0x113: {  	s0 =	rddreg [dreg:$0x0];
	s2 =	stileid.u32  }
0x114: {  	s1 =	rddreg [dreg:$0x1];
	p0 =	sne.s32 s2, $0x0  }
0x115: {  	s3 =	rddreg [dreg:$0x2];
	[bflag:$0x3] =	sbarrier.arrive $0xFFFF;
	s2 =	simm.s32 @!p0 $0x1C07  }
0x116: {  	[timem:s3], [sflag:s2] =	dma.local @!p0 [hbm:s0], s1  }
0x117: {  	s0 =	simm.s32 @!p0 $0x7  }
0x118: {  	_ =	swait.ge @!p0 [sflag:s0], s1  }
0x119: {  	s1 =	ssub.s32 @!p0 $0x0, s1;
	[sflag:s0] =	ssyncset.done @!p0 $0x0  }
0x11a: {  	[sflag:s0] =	ssyncadd.s32 @!p0 s1  }
0x11b: {  	[bflag:$0x3] =	sbarrier.arrive $0xFFFF  }
0x11c: {  	_ =	shalt  }

</sc_bundles>
